<compile_context>
chip_gen: v7x
topology: tpu7x:2x2x1
jax: 0.10.2.dev20260603
libtpu: 0.0.44.dev20260713+nightly
codegen_flags: <defaults>
</compile_context>

<pallas_src>
import jax
import jax.numpy as jnp
from jax import lax
from jax.experimental import pallas as pl
from jax.experimental.pallas import tpu as pltpu
from jax.experimental.pallas import tpu_sc as plsc

D = 128
B = 320000
NC, NS = 2, 16
NW = NC * NS
BPW = B // NW
C = 80
NCHUNK = BPW // C
NBUF = 5
AHEAD = 2


def _mixer_body(x_hbm, ei_hbm, out_hbm, idx_s, idx_d,
                a0, a1, a2, a3, a4, b0, b1, b2, b3, b4,
                gs0, gs1, gs2, gs3, gs4, ws0, ws1, ws2, ws3, ws4):
    A = (a0, a1, a2, a3, a4)
    Bv = (b0, b1, b2, b3, b4)
    GS = (gs0, gs1, gs2, gs3, gs4)
    WS = (ws0, ws1, ws2, ws3, ws4)

    wid = lax.axis_index("s") * NC + lax.axis_index("c")
    base_w = wid * BPW
    pltpu.sync_copy(ei_hbm.at[pl.ds(base_w, BPW)], idx_s)
    pltpu.sync_copy(ei_hbm.at[pl.ds(B + base_w, BPW)], idx_d)

    def issue_gather(h, k):
        off = h * C
        pltpu.async_copy(x_hbm.at[idx_s.at[pl.ds(off, C)]], A[k], GS[k])
        pltpu.async_copy(x_hbm.at[idx_d.at[pl.ds(off, C)]], Bv[k], GS[k])

    def drain_gather(h, k):
        off = h * C
        pltpu.make_async_copy(x_hbm.at[idx_s.at[pl.ds(off, C)]], A[k], GS[k]).wait()
        pltpu.make_async_copy(x_hbm.at[idx_d.at[pl.ds(off, C)]], Bv[k], GS[k]).wait()

    def issue_write(h, k):
        pltpu.async_copy(A[k], out_hbm.at[pl.ds(base_w + h * C, C)], WS[k])

    def drain_write(h, k):
        pltpu.make_async_copy(A[k], out_hbm.at[pl.ds(base_w + h * C, C)], WS[k]).wait()

    for h in range(AHEAD):
        issue_gather(h, h)

    def outer(o, carry):
        for k in range(NBUF):
            g = o * NBUF + k
            j = (k + AHEAD) % NBUF

            @pl.when(g >= NBUF - AHEAD)
            def _():
                drain_write(g - (NBUF - AHEAD), j)

            @pl.when(g + AHEAD < NCHUNK)
            def _():
                issue_gather(g + AHEAD, j)

            drain_gather(g, k)

            pass

            issue_write(g, k)
        return carry

    lax.fori_loop(0, NCHUNK // NBUF, outer, 0)

    for h in range(NCHUNK - (NBUF - AHEAD), NCHUNK):
        drain_write(h, h % NBUF)


def kernel(x, edge_index):
    mesh = plsc.VectorSubcoreMesh(core_axis_name="c", subcore_axis_name="s")
    run = pl.kernel(
        _mixer_body,
        out_type=jax.ShapeDtypeStruct((B, D), jnp.float32),
        mesh=mesh,
        scratch_types=[
            pltpu.VMEM((BPW,), jnp.int32),
            pltpu.VMEM((BPW,), jnp.int32),
        ] + [pltpu.VMEM((C, D), jnp.float32)] * (2 * NBUF)
          + [pltpu.SemaphoreType.DMA] * (2 * NBUF),
    )
    return run(x, edge_index.reshape(2 * B))

# --- scband reference (transcript-rebuilt; emitter-appended) ---
"""Pipeline reference for scband-node-mixer-63513976373540 (READ-ONLY COPY).

The authoritative reference and input builder live on the scoring server;
editing this copy changes nothing except your own understanding.
"""

import jax, jax.numpy as jnp
import numpy as np


def setup_inputs(seed: int = 0) -> dict:
    key = jax.random.key(seed)
    k1, k2 = jax.random.split(key)
    x = jax.random.normal(k1, (10000, 128), dtype=jnp.float32)
    edge_index = jax.random.randint(k2, (2, 320000), 0, 10000, dtype=jnp.int64 if jax.config.read('jax_enable_x64') else jnp.int32).astype(jnp.int32)
    return {"x": x, "edge_index": edge_index}


def reference(x, edge_index):
    # the_op = torch.sub: elementwise subtraction of gathered node features
    src = jnp.take(x, edge_index[0], axis=0)
    dst = jnp.take(x, edge_index[1], axis=0)
    return src - dst

if __name__ == "__main__":
    import jax
    _d = setup_inputs()
    print(jax.jit(kernel)(*tuple(_d.values())))

</pallas_src>

<mosaic_0001>
#map = affine_map<(d0, d1) -> (0, 0)>
#map1 = affine_map<(d0, d1) -> (0)>
module attributes {stable_mosaic.version = 14 : i64} {
  func.func @_mixer_body(%arg0: i32, %arg1: i32, %arg2: memref<10000x128xf32, #tpu.memory_space<hbm>>, %arg3: memref<640000xi32, #tpu.memory_space<hbm>>, %arg4: memref<320000x128xf32, #tpu.memory_space<hbm>>, %arg5: memref<10000xi32, #tpu.memory_space<vmem>>, %arg6: memref<10000xi32, #tpu.memory_space<vmem>>, %arg7: memref<80x128xf32, #tpu.memory_space<vmem>>, %arg8: memref<80x128xf32, #tpu.memory_space<vmem>>, %arg9: memref<80x128xf32, #tpu.memory_space<vmem>>, %arg10: memref<80x128xf32, #tpu.memory_space<vmem>>, %arg11: memref<80x128xf32, #tpu.memory_space<vmem>>, %arg12: memref<80x128xf32, #tpu.memory_space<vmem>>, %arg13: memref<80x128xf32, #tpu.memory_space<vmem>>, %arg14: memref<80x128xf32, #tpu.memory_space<vmem>>, %arg15: memref<80x128xf32, #tpu.memory_space<vmem>>, %arg16: memref<80x128xf32, #tpu.memory_space<vmem>>, %arg17: memref<!tpu.dma_semaphore, #tpu.memory_space<semaphore_mem>>, %arg18: memref<!tpu.dma_semaphore, #tpu.memory_space<semaphore_mem>>, %arg19: memref<!tpu.dma_semaphore, #tpu.memory_space<semaphore_mem>>, %arg20: memref<!tpu.dma_semaphore, #tpu.memory_space<semaphore_mem>>, %arg21: memref<!tpu.dma_semaphore, #tpu.memory_space<semaphore_mem>>, %arg22: memref<!tpu.dma_semaphore, #tpu.memory_space<semaphore_mem>>, %arg23: memref<!tpu.dma_semaphore, #tpu.memory_space<semaphore_mem>>, %arg24: memref<!tpu.dma_semaphore, #tpu.memory_space<semaphore_mem>>, %arg25: memref<!tpu.dma_semaphore, #tpu.memory_space<semaphore_mem>>, %arg26: memref<!tpu.dma_semaphore, #tpu.memory_space<semaphore_mem>>) attributes {dimension_semantics = [#tpu.dimension_semantics<core_parallel>, #tpu.dimension_semantics<subcore_parallel>], iteration_bounds = array<i64: 2, 16>, scalar_prefetch = 0 : i64, scratch_operands = 22 : i64, tpu.core_type = #tpu.core_type<sc_vector_subcore>, window_params = [{transform_indices = #map}, {transform_indices = #map1}, {transform_indices = #map}]} {
    %mul3A = arith.constant 2 : i32
    %mul3A_0 = arith.muli %arg1, %mul3A : i32
    %add3A = arith.addi %mul3A_0, %arg0 : i32
    %mul3A_1 = arith.constant 10000 : i32
    %mul3A_2 = arith.muli %add3A, %mul3A_1 : i32
    "tpu.region"() ({
      %run_scoped3A = tpu.sem_alloc : memref<!tpu.dma_semaphore, #tpu.memory_space<semaphore_mem>>
      %dma_start3A_46 = tpu.memref_slice %arg3[%mul3A_2] : memref<640000xi32, #tpu.memory_space<hbm>> -> memref<10000xi32, #tpu.memory_space<hbm>>
      %dma_start3A_47 = tpu.memref_slice %arg3[%mul3A_2] : memref<640000xi32, #tpu.memory_space<hbm>> -> memref<10000xi32, #tpu.memory_space<hbm>>
      tpu.enqueue_dma source(%dma_start3A_47 : memref<10000xi32, #tpu.memory_space<hbm>>) target(%arg5 : memref<10000xi32, #tpu.memory_space<vmem>>) target_semaphore(%run_scoped3A : memref<!tpu.dma_semaphore, #tpu.memory_space<semaphore_mem>>)
      %dma_wait3A_48 = tpu.memref_slice %arg3[%mul3A_2] : memref<640000xi32, #tpu.memory_space<hbm>> -> memref<10000xi32, #tpu.memory_space<hbm>>
      %dma_wait3A_49 = tpu.memref_slice %arg3[%mul3A_2] : memref<640000xi32, #tpu.memory_space<hbm>> -> memref<10000xi32, #tpu.memory_space<hbm>>
      tpu.wait_dma2 semaphore(%run_scoped3A : memref<!tpu.dma_semaphore, #tpu.memory_space<semaphore_mem>>) src(%dma_wait3A_49 : memref<10000xi32, #tpu.memory_space<hbm>>) dst(%arg5 : memref<10000xi32, #tpu.memory_space<vmem>>)
      tpu.yield
    }) : () -> ()
    %add3A_3 = arith.constant 320000 : i32
    %add3A_4 = arith.addi %add3A_3, %mul3A_2 : i32
    "tpu.region"() ({
      %run_scoped3A = tpu.sem_alloc : memref<!tpu.dma_semaphore, #tpu.memory_space<semaphore_mem>>
      %dma_start3A_46 = tpu.memref_slice %arg3[%add3A_4] : memref<640000xi32, #tpu.memory_space<hbm>> -> memref<10000xi32, #tpu.memory_space<hbm>>
      %dma_start3A_47 = tpu.memref_slice %arg3[%add3A_4] : memref<640000xi32, #tpu.memory_space<hbm>> -> memref<10000xi32, #tpu.memory_space<hbm>>
      tpu.enqueue_dma source(%dma_start3A_47 : memref<10000xi32, #tpu.memory_space<hbm>>) target(%arg6 : memref<10000xi32, #tpu.memory_space<vmem>>) target_semaphore(%run_scoped3A : memref<!tpu.dma_semaphore, #tpu.memory_space<semaphore_mem>>)
      %dma_wait3A_48 = tpu.memref_slice %arg3[%add3A_4] : memref<640000xi32, #tpu.memory_space<hbm>> -> memref<10000xi32, #tpu.memory_space<hbm>>
      %dma_wait3A_49 = tpu.memref_slice %arg3[%add3A_4] : memref<640000xi32, #tpu.memory_space<hbm>> -> memref<10000xi32, #tpu.memory_space<hbm>>
      tpu.wait_dma2 semaphore(%run_scoped3A : memref<!tpu.dma_semaphore, #tpu.memory_space<semaphore_mem>>) src(%dma_wait3A_49 : memref<10000xi32, #tpu.memory_space<hbm>>) dst(%arg6 : memref<10000xi32, #tpu.memory_space<vmem>>)
      tpu.yield
    }) : () -> ()
    %dma_start3A = arith.constant 0 : i32
    %dma_start3A_5 = tpu.memref_slice %arg5[%dma_start3A] : memref<10000xi32, #tpu.memory_space<vmem>> -> memref<80xi32, #tpu.memory_space<vmem>>
    %dma_start3A_6 = arith.constant 0 : i32
    %dma_start3A_7 = arith.constant 0 : i32
    %dma_start3A_8 = tpu.memref_slice %arg2[%dma_start3A_6, %dma_start3A_7] : memref<10000x128xf32, #tpu.memory_space<hbm>> -> memref<10000x128xf32, #tpu.memory_space<hbm>>
    tpu.enqueue_indirect_dma source(%dma_start3A_8 : memref<10000x128xf32, #tpu.memory_space<hbm>>) target(%arg7 : memref<80x128xf32, #tpu.memory_space<vmem>>) offsets(%dma_start3A_5 : memref<80xi32, #tpu.memory_space<vmem>>) semaphore(%arg17 : memref<!tpu.dma_semaphore, #tpu.memory_space<semaphore_mem>>)
    %dma_start3A_9 = arith.constant 0 : i32
    %dma_start3A_10 = tpu.memref_slice %arg6[%dma_start3A_9] : memref<10000xi32, #tpu.memory_space<vmem>> -> memref<80xi32, #tpu.memory_space<vmem>>
    %dma_start3A_11 = arith.constant 0 : i32
    %dma_start3A_12 = arith.constant 0 : i32
    %dma_start3A_13 = tpu.memref_slice %arg2[%dma_start3A_11, %dma_start3A_12] : memref<10000x128xf32, #tpu.memory_space<hbm>> -> memref<10000x128xf32, #tpu.memory_space<hbm>>
    tpu.enqueue_indirect_dma source(%dma_start3A_13 : memref<10000x128xf32, #tpu.memory_space<hbm>>) target(%arg12 : memref<80x128xf32, #tpu.memory_space<vmem>>) offsets(%dma_start3A_10 : memref<80xi32, #tpu.memory_space<vmem>>) semaphore(%arg17 : memref<!tpu.dma_semaphore, #tpu.memory_space<semaphore_mem>>)
    %dma_start3A_14 = arith.constant 80 : i32
    %dma_start3A_15 = tpu.memref_slice %arg5[%dma_start3A_14] : memref<10000xi32, #tpu.memory_space<vmem>> -> memref<80xi32, #tpu.memory_space<vmem>>
    %dma_start3A_16 = arith.constant 0 : i32
    %dma_start3A_17 = arith.constant 0 : i32
    %dma_start3A_18 = tpu.memref_slice %arg2[%dma_start3A_16, %dma_start3A_17] : memref<10000x128xf32, #tpu.memory_space<hbm>> -> memref<10000x128xf32, #tpu.memory_space<hbm>>
    tpu.enqueue_indirect_dma source(%dma_start3A_18 : memref<10000x128xf32, #tpu.memory_space<hbm>>) target(%arg8 : memref<80x128xf32, #tpu.memory_space<vmem>>) offsets(%dma_start3A_15 : memref<80xi32, #tpu.memory_space<vmem>>) semaphore(%arg18 : memref<!tpu.dma_semaphore, #tpu.memory_space<semaphore_mem>>)
    %dma_start3A_19 = arith.constant 80 : i32
    %dma_start3A_20 = tpu.memref_slice %arg6[%dma_start3A_19] : memref<10000xi32, #tpu.memory_space<vmem>> -> memref<80xi32, #tpu.memory_space<vmem>>
    %dma_start3A_21 = arith.constant 0 : i32
    %dma_start3A_22 = arith.constant 0 : i32
    %dma_start3A_23 = tpu.memref_slice %arg2[%dma_start3A_21, %dma_start3A_22] : memref<10000x128xf32, #tpu.memory_space<hbm>> -> memref<10000x128xf32, #tpu.memory_space<hbm>>
    tpu.enqueue_indirect_dma source(%dma_start3A_23 : memref<10000x128xf32, #tpu.memory_space<hbm>>) target(%arg13 : memref<80x128xf32, #tpu.memory_space<vmem>>) offsets(%dma_start3A_20 : memref<80xi32, #tpu.memory_space<vmem>>) semaphore(%arg18 : memref<!tpu.dma_semaphore, #tpu.memory_space<semaphore_mem>>)
    %scan3A = arith.constant 0 : i32
    %scan3A_24 = arith.constant 0 : i32
    %scan3A_25 = arith.constant 25 : i32
    %scan3A_26 = arith.addi %scan3A_24, %scan3A_25 : i32
    %scan3A_27 = arith.constant 1 : i32
    scf.for %scan3A_46 = %scan3A_24 to %scan3A_26 step %scan3A_27  : i32 {
      %mul3A_47 = arith.constant 5 : i32
      %mul3A_48 = arith.muli %scan3A_46, %mul3A_47 : i32
      %add3A_49 = arith.constant 0 : i32
      %add3A_50 = arith.addi %mul3A_48, %add3A_49 : i32
      %ge3A = arith.constant 3 : i32
      %ge3A_51 = arith.cmpi sge, %add3A_50, %ge3A : i32
      %convert_element_type3A = arith.extui %ge3A_51 : i1 to i32
      %cond3A = arith.constant 0 : i32
      %cond3A_52 = arith.cmpi ne, %convert_element_type3A, %cond3A : i32
      scf.if %cond3A_52 {
        %sub3A = arith.constant 3 : i32
        %sub3A_208 = arith.subi %add3A_50, %sub3A : i32
        %mul3A_209 = arith.constant 80 : i32
        %mul3A_210 = arith.muli %sub3A_208, %mul3A_209 : i32
        %add3A_211 = arith.addi %mul3A_2, %mul3A_210 : i32
        %dma_wait3A_212 = arith.constant 0 : i32
        %dma_wait3A_213 = tpu.memref_slice %arg4[%add3A_211, %dma_wait3A_212] : memref<320000x128xf32, #tpu.memory_space<hbm>> -> memref<80x128xf32, #tpu.memory_space<hbm>>
        %dma_wait3A_214 = arith.constant 0 : i32
        %dma_wait3A_215 = tpu.memref_slice %arg4[%add3A_211, %dma_wait3A_214] : memref<320000x128xf32, #tpu.memory_space<hbm>> -> memref<80x128xf32, #tpu.memory_space<hbm>>
        tpu.wait_dma2 semaphore(%arg24 : memref<!tpu.dma_semaphore, #tpu.memory_space<semaphore_mem>>) src(%arg9 : memref<80x128xf32, #tpu.memory_space<vmem>>) dst(%dma_wait3A_215 : memref<80x128xf32, #tpu.memory_space<hbm>>)
      } else {
      }
      %add3A_53 = arith.constant 2 : i32
      %add3A_54 = arith.addi %add3A_50, %add3A_53 : i32
      %lt3A = arith.constant 125 : i32
      %lt3A_55 = arith.cmpi slt, %add3A_54, %lt3A : i32
      %convert_element_type3A_56 = arith.extui %lt3A_55 : i1 to i32
      %cond3A_57 = arith.constant 0 : i32
      %cond3A_58 = arith.cmpi ne, %convert_element_type3A_56, %cond3A_57 : i32
      scf.if %cond3A_58 {
        %add3A_208 = arith.constant 2 : i32
        %add3A_209 = arith.addi %add3A_50, %add3A_208 : i32
        %mul3A_210 = arith.constant 80 : i32
        %mul3A_211 = arith.muli %add3A_209, %mul3A_210 : i32
        %dma_start3A_212 = tpu.memref_slice %arg5[%mul3A_211] : memref<10000xi32, #tpu.memory_space<vmem>> -> memref<80xi32, #tpu.memory_space<vmem>>
        %dma_start3A_213 = arith.constant 0 : i32
        %dma_start3A_214 = arith.constant 0 : i32
        %dma_start3A_215 = tpu.memref_slice %arg2[%dma_start3A_213, %dma_start3A_214] : memref<10000x128xf32, #tpu.memory_space<hbm>> -> memref<10000x128xf32, #tpu.memory_space<hbm>>
        tpu.enqueue_indirect_dma source(%dma_start3A_215 : memref<10000x128xf32, #tpu.memory_space<hbm>>) target(%arg9 : memref<80x128xf32, #tpu.memory_space<vmem>>) offsets(%dma_start3A_212 : memref<80xi32, #tpu.memory_space<vmem>>) semaphore(%arg19 : memref<!tpu.dma_semaphore, #tpu.memory_space<semaphore_mem>>)
        %dma_start3A_216 = tpu.memref_slice %arg6[%mul3A_211] : memref<10000xi32, #tpu.memory_space<vmem>> -> memref<80xi32, #tpu.memory_space<vmem>>
        %dma_start3A_217 = arith.constant 0 : i32
        %dma_start3A_218 = arith.constant 0 : i32
        %dma_start3A_219 = tpu.memref_slice %arg2[%dma_start3A_217, %dma_start3A_218] : memref<10000x128xf32, #tpu.memory_space<hbm>> -> memref<10000x128xf32, #tpu.memory_space<hbm>>
        tpu.enqueue_indirect_dma source(%dma_start3A_219 : memref<10000x128xf32, #tpu.memory_space<hbm>>) target(%arg14 : memref<80x128xf32, #tpu.memory_space<vmem>>) offsets(%dma_start3A_216 : memref<80xi32, #tpu.memory_space<vmem>>) semaphore(%arg19 : memref<!tpu.dma_semaphore, #tpu.memory_space<semaphore_mem>>)
      } else {
      }
      %mul3A_59 = arith.constant 80 : i32
      %mul3A_60 = arith.muli %add3A_50, %mul3A_59 : i32
      %dma_wait3A_61 = tpu.memref_slice %arg5[%mul3A_60] : memref<10000xi32, #tpu.memory_space<vmem>> -> memref<80xi32, #tpu.memory_space<vmem>>
      %dma_wait3A_62 = arith.constant 0 : i32
      %dma_wait3A_63 = arith.constant 0 : i32
      %dma_wait3A_64 = tpu.memref_slice %arg2[%dma_wait3A_62, %dma_wait3A_63] : memref<10000x128xf32, #tpu.memory_space<hbm>> -> memref<10000x128xf32, #tpu.memory_space<hbm>>
      tpu.wait_indirect_dma semaphore(%arg17 : memref<!tpu.dma_semaphore, #tpu.memory_space<semaphore_mem>>) src(%dma_wait3A_64 : memref<10000x128xf32, #tpu.memory_space<hbm>>) dst(%arg7 : memref<80x128xf32, #tpu.memory_space<vmem>>)
      %dma_wait3A_65 = tpu.memref_slice %arg6[%mul3A_60] : memref<10000xi32, #tpu.memory_space<vmem>> -> memref<80xi32, #tpu.memory_space<vmem>>
      %dma_wait3A_66 = arith.constant 0 : i32
      %dma_wait3A_67 = arith.constant 0 : i32
      %dma_wait3A_68 = tpu.memref_slice %arg2[%dma_wait3A_66, %dma_wait3A_67] : memref<10000x128xf32, #tpu.memory_space<hbm>> -> memref<10000x128xf32, #tpu.memory_space<hbm>>
      tpu.wait_indirect_dma semaphore(%arg17 : memref<!tpu.dma_semaphore, #tpu.memory_space<semaphore_mem>>) src(%dma_wait3A_68 : memref<10000x128xf32, #tpu.memory_space<hbm>>) dst(%arg12 : memref<80x128xf32, #tpu.memory_space<vmem>>)
      %mul3A_69 = arith.constant 80 : i32
      %mul3A_70 = arith.muli %add3A_50, %mul3A_69 : i32
      %add3A_71 = arith.addi %mul3A_2, %mul3A_70 : i32
      %dma_start3A_72 = arith.constant 0 : i32
      %dma_start3A_73 = tpu.memref_slice %arg4[%add3A_71, %dma_start3A_72] : memref<320000x128xf32, #tpu.memory_space<hbm>> -> memref<80x128xf32, #tpu.memory_space<hbm>>
      %dma_start3A_74 = arith.constant 0 : i32
      %dma_start3A_75 = tpu.memref_slice %arg4[%add3A_71, %dma_start3A_74] : memref<320000x128xf32, #tpu.memory_space<hbm>> -> memref<80x128xf32, #tpu.memory_space<hbm>>
      tpu.enqueue_dma source(%arg7 : memref<80x128xf32, #tpu.memory_space<vmem>>) target(%dma_start3A_75 : memref<80x128xf32, #tpu.memory_space<hbm>>) target_semaphore(%arg22 : memref<!tpu.dma_semaphore, #tpu.memory_space<semaphore_mem>>)
      %mul3A_76 = arith.constant 5 : i32
      %mul3A_77 = arith.muli %scan3A_46, %mul3A_76 : i32
      %add3A_78 = arith.constant 1 : i32
      %add3A_79 = arith.addi %mul3A_77, %add3A_78 : i32
      %ge3A_80 = arith.constant 3 : i32
      %ge3A_81 = arith.cmpi sge, %add3A_79, %ge3A_80 : i32
      %convert_element_type3A_82 = arith.extui %ge3A_81 : i1 to i32
      %cond3A_83 = arith.constant 0 : i32
      %cond3A_84 = arith.cmpi ne, %convert_element_type3A_82, %cond3A_83 : i32
      scf.if %cond3A_84 {
        %sub3A = arith.constant 3 : i32
        %sub3A_208 = arith.subi %add3A_79, %sub3A : i32
        %mul3A_209 = arith.constant 80 : i32
        %mul3A_210 = arith.muli %sub3A_208, %mul3A_209 : i32
        %add3A_211 = arith.addi %mul3A_2, %mul3A_210 : i32
        %dma_wait3A_212 = arith.constant 0 : i32
        %dma_wait3A_213 = tpu.memref_slice %arg4[%add3A_211, %dma_wait3A_212] : memref<320000x128xf32, #tpu.memory_space<hbm>> -> memref<80x128xf32, #tpu.memory_space<hbm>>
        %dma_wait3A_214 = arith.constant 0 : i32
        %dma_wait3A_215 = tpu.memref_slice %arg4[%add3A_211, %dma_wait3A_214] : memref<320000x128xf32, #tpu.memory_space<hbm>> -> memref<80x128xf32, #tpu.memory_space<hbm>>
        tpu.wait_dma2 semaphore(%arg25 : memref<!tpu.dma_semaphore, #tpu.memory_space<semaphore_mem>>) src(%arg10 : memref<80x128xf32, #tpu.memory_space<vmem>>) dst(%dma_wait3A_215 : memref<80x128xf32, #tpu.memory_space<hbm>>)
      } else {
      }
      %add3A_85 = arith.constant 2 : i32
      %add3A_86 = arith.addi %add3A_79, %add3A_85 : i32
      %lt3A_87 = arith.constant 125 : i32
      %lt3A_88 = arith.cmpi slt, %add3A_86, %lt3A_87 : i32
      %convert_element_type3A_89 = arith.extui %lt3A_88 : i1 to i32
      %cond3A_90 = arith.constant 0 : i32
      %cond3A_91 = arith.cmpi ne, %convert_element_type3A_89, %cond3A_90 : i32
      scf.if %cond3A_91 {
        %add3A_208 = arith.constant 2 : i32
        %add3A_209 = arith.addi %add3A_79, %add3A_208 : i32
        %mul3A_210 = arith.constant 80 : i32
        %mul3A_211 = arith.muli %add3A_209, %mul3A_210 : i32
        %dma_start3A_212 = tpu.memref_slice %arg5[%mul3A_211] : memref<10000xi32, #tpu.memory_space<vmem>> -> memref<80xi32, #tpu.memory_space<vmem>>
        %dma_start3A_213 = arith.constant 0 : i32
        %dma_start3A_214 = arith.constant 0 : i32
        %dma_start3A_215 = tpu.memref_slice %arg2[%dma_start3A_213, %dma_start3A_214] : memref<10000x128xf32, #tpu.memory_space<hbm>> -> memref<10000x128xf32, #tpu.memory_space<hbm>>
        tpu.enqueue_indirect_dma source(%dma_start3A_215 : memref<10000x128xf32, #tpu.memory_space<hbm>>) target(%arg10 : memref<80x128xf32, #tpu.memory_space<vmem>>) offsets(%dma_start3A_212 : memref<80xi32, #tpu.memory_space<vmem>>) semaphore(%arg20 : memref<!tpu.dma_semaphore, #tpu.memory_space<semaphore_mem>>)
        %dma_start3A_216 = tpu.memref_slice %arg6[%mul3A_211] : memref<10000xi32, #tpu.memory_space<vmem>> -> memref<80xi32, #tpu.memory_space<vmem>>
        %dma_start3A_217 = arith.constant 0 : i32
        %dma_start3A_218 = arith.constant 0 : i32
        %dma_start3A_219 = tpu.memref_slice %arg2[%dma_start3A_217, %dma_start3A_218] : memref<10000x128xf32, #tpu.memory_space<hbm>> -> memref<10000x128xf32, #tpu.memory_space<hbm>>
        tpu.enqueue_indirect_dma source(%dma_start3A_219 : memref<10000x128xf32, #tpu.memory_space<hbm>>) target(%arg15 : memref<80x128xf32, #tpu.memory_space<vmem>>) offsets(%dma_start3A_216 : memref<80xi32, #tpu.memory_space<vmem>>) semaphore(%arg20 : memref<!tpu.dma_semaphore, #tpu.memory_space<semaphore_mem>>)
      } else {
      }
      %mul3A_92 = arith.constant 80 : i32
      %mul3A_93 = arith.muli %add3A_79, %mul3A_92 : i32
      %dma_wait3A_94 = tpu.memref_slice %arg5[%mul3A_93] : memref<10000xi32, #tpu.memory_space<vmem>> -> memref<80xi32, #tpu.memory_space<vmem>>
      %dma_wait3A_95 = arith.constant 0 : i32
      %dma_wait3A_96 = arith.constant 0 : i32
      %dma_wait3A_97 = tpu.memref_slice %arg2[%dma_wait3A_95, %dma_wait3A_96] : memref<10000x128xf32, #tpu.memory_space<hbm>> -> memref<10000x128xf32, #tpu.memory_space<hbm>>
      tpu.wait_indirect_dma semaphore(%arg18 : memref<!tpu.dma_semaphore, #tpu.memory_space<semaphore_mem>>) src(%dma_wait3A_97 : memref<10000x128xf32, #tpu.memory_space<hbm>>) dst(%arg8 : memref<80x128xf32, #tpu.memory_space<vmem>>)
      %dma_wait3A_98 = tpu.memref_slice %arg6[%mul3A_93] : memref<10000xi32, #tpu.memory_space<vmem>> -> memref<80xi32, #tpu.memory_space<vmem>>
      %dma_wait3A_99 = arith.constant 0 : i32
      %dma_wait3A_100 = arith.constant 0 : i32
      %dma_wait3A_101 = tpu.memref_slice %arg2[%dma_wait3A_99, %dma_wait3A_100] : memref<10000x128xf32, #tpu.memory_space<hbm>> -> memref<10000x128xf32, #tpu.memory_space<hbm>>
      tpu.wait_indirect_dma semaphore(%arg18 : memref<!tpu.dma_semaphore, #tpu.memory_space<semaphore_mem>>) src(%dma_wait3A_101 : memref<10000x128xf32, #tpu.memory_space<hbm>>) dst(%arg13 : memref<80x128xf32, #tpu.memory_space<vmem>>)
      %mul3A_102 = arith.constant 80 : i32
      %mul3A_103 = arith.muli %add3A_79, %mul3A_102 : i32
      %add3A_104 = arith.addi %mul3A_2, %mul3A_103 : i32
      %dma_start3A_105 = arith.constant 0 : i32
      %dma_start3A_106 = tpu.memref_slice %arg4[%add3A_104, %dma_start3A_105] : memref<320000x128xf32, #tpu.memory_space<hbm>> -> memref<80x128xf32, #tpu.memory_space<hbm>>
      %dma_start3A_107 = arith.constant 0 : i32
      %dma_start3A_108 = tpu.memref_slice %arg4[%add3A_104, %dma_start3A_107] : memref<320000x128xf32, #tpu.memory_space<hbm>> -> memref<80x128xf32, #tpu.memory_space<hbm>>
      tpu.enqueue_dma source(%arg8 : memref<80x128xf32, #tpu.memory_space<vmem>>) target(%dma_start3A_108 : memref<80x128xf32, #tpu.memory_space<hbm>>) target_semaphore(%arg23 : memref<!tpu.dma_semaphore, #tpu.memory_space<semaphore_mem>>)
      %mul3A_109 = arith.constant 5 : i32
      %mul3A_110 = arith.muli %scan3A_46, %mul3A_109 : i32
      %add3A_111 = arith.constant 2 : i32
      %add3A_112 = arith.addi %mul3A_110, %add3A_111 : i32
      %ge3A_113 = arith.constant 3 : i32
      %ge3A_114 = arith.cmpi sge, %add3A_112, %ge3A_113 : i32
      %convert_element_type3A_115 = arith.extui %ge3A_114 : i1 to i32
      %cond3A_116 = arith.constant 0 : i32
      %cond3A_117 = arith.cmpi ne, %convert_element_type3A_115, %cond3A_116 : i32
      scf.if %cond3A_117 {
        %sub3A = arith.constant 3 : i32
        %sub3A_208 = arith.subi %add3A_112, %sub3A : i32
        %mul3A_209 = arith.constant 80 : i32
        %mul3A_210 = arith.muli %sub3A_208, %mul3A_209 : i32
        %add3A_211 = arith.addi %mul3A_2, %mul3A_210 : i32
        %dma_wait3A_212 = arith.constant 0 : i32
        %dma_wait3A_213 = tpu.memref_slice %arg4[%add3A_211, %dma_wait3A_212] : memref<320000x128xf32, #tpu.memory_space<hbm>> -> memref<80x128xf32, #tpu.memory_space<hbm>>
        %dma_wait3A_214 = arith.constant 0 : i32
        %dma_wait3A_215 = tpu.memref_slice %arg4[%add3A_211, %dma_wait3A_214] : memref<320000x128xf32, #tpu.memory_space<hbm>> -> memref<80x128xf32, #tpu.memory_space<hbm>>
        tpu.wait_dma2 semaphore(%arg26 : memref<!tpu.dma_semaphore, #tpu.memory_space<semaphore_mem>>) src(%arg11 : memref<80x128xf32, #tpu.memory_space<vmem>>) dst(%dma_wait3A_215 : memref<80x128xf32, #tpu.memory_space<hbm>>)
      } else {
      }
      %add3A_118 = arith.constant 2 : i32
      %add3A_119 = arith.addi %add3A_112, %add3A_118 : i32
      %lt3A_120 = arith.constant 125 : i32
      %lt3A_121 = arith.cmpi slt, %add3A_119, %lt3A_120 : i32
      %convert_element_type3A_122 = arith.extui %lt3A_121 : i1 to i32
      %cond3A_123 = arith.constant 0 : i32
      %cond3A_124 = arith.cmpi ne, %convert_element_type3A_122, %cond3A_123 : i32
      scf.if %cond3A_124 {
        %add3A_208 = arith.constant 2 : i32
        %add3A_209 = arith.addi %add3A_112, %add3A_208 : i32
        %mul3A_210 = arith.constant 80 : i32
        %mul3A_211 = arith.muli %add3A_209, %mul3A_210 : i32
        %dma_start3A_212 = tpu.memref_slice %arg5[%mul3A_211] : memref<10000xi32, #tpu.memory_space<vmem>> -> memref<80xi32, #tpu.memory_space<vmem>>
        %dma_start3A_213 = arith.constant 0 : i32
        %dma_start3A_214 = arith.constant 0 : i32
        %dma_start3A_215 = tpu.memref_slice %arg2[%dma_start3A_213, %dma_start3A_214] : memref<10000x128xf32, #tpu.memory_space<hbm>> -> memref<10000x128xf32, #tpu.memory_space<hbm>>
        tpu.enqueue_indirect_dma source(%dma_start3A_215 : memref<10000x128xf32, #tpu.memory_space<hbm>>) target(%arg11 : memref<80x128xf32, #tpu.memory_space<vmem>>) offsets(%dma_start3A_212 : memref<80xi32, #tpu.memory_space<vmem>>) semaphore(%arg21 : memref<!tpu.dma_semaphore, #tpu.memory_space<semaphore_mem>>)
        %dma_start3A_216 = tpu.memref_slice %arg6[%mul3A_211] : memref<10000xi32, #tpu.memory_space<vmem>> -> memref<80xi32, #tpu.memory_space<vmem>>
        %dma_start3A_217 = arith.constant 0 : i32
        %dma_start3A_218 = arith.constant 0 : i32
        %dma_start3A_219 = tpu.memref_slice %arg2[%dma_start3A_217, %dma_start3A_218] : memref<10000x128xf32, #tpu.memory_space<hbm>> -> memref<10000x128xf32, #tpu.memory_space<hbm>>
        tpu.enqueue_indirect_dma source(%dma_start3A_219 : memref<10000x128xf32, #tpu.memory_space<hbm>>) target(%arg16 : memref<80x128xf32, #tpu.memory_space<vmem>>) offsets(%dma_start3A_216 : memref<80xi32, #tpu.memory_space<vmem>>) semaphore(%arg21 : memref<!tpu.dma_semaphore, #tpu.memory_space<semaphore_mem>>)
      } else {
      }
      %mul3A_125 = arith.constant 80 : i32
      %mul3A_126 = arith.muli %add3A_112, %mul3A_125 : i32
      %dma_wait3A_127 = tpu.memref_slice %arg5[%mul3A_126] : memref<10000xi32, #tpu.memory_space<vmem>> -> memref<80xi32, #tpu.memory_space<vmem>>
      %dma_wait3A_128 = arith.constant 0 : i32
      %dma_wait3A_129 = arith.constant 0 : i32
      %dma_wait3A_130 = tpu.memref_slice %arg2[%dma_wait3A_128, %dma_wait3A_129] : memref<10000x128xf32, #tpu.memory_space<hbm>> -> memref<10000x128xf32, #tpu.memory_space<hbm>>
      tpu.wait_indirect_dma semaphore(%arg19 : memref<!tpu.dma_semaphore, #tpu.memory_space<semaphore_mem>>) src(%dma_wait3A_130 : memref<10000x128xf32, #tpu.memory_space<hbm>>) dst(%arg9 : memref<80x128xf32, #tpu.memory_space<vmem>>)
      %dma_wait3A_131 = tpu.memref_slice %arg6[%mul3A_126] : memref<10000xi32, #tpu.memory_space<vmem>> -> memref<80xi32, #tpu.memory_space<vmem>>
      %dma_wait3A_132 = arith.constant 0 : i32
      %dma_wait3A_133 = arith.constant 0 : i32
      %dma_wait3A_134 = tpu.memref_slice %arg2[%dma_wait3A_132, %dma_wait3A_133] : memref<10000x128xf32, #tpu.memory_space<hbm>> -> memref<10000x128xf32, #tpu.memory_space<hbm>>
      tpu.wait_indirect_dma semaphore(%arg19 : memref<!tpu.dma_semaphore, #tpu.memory_space<semaphore_mem>>) src(%dma_wait3A_134 : memref<10000x128xf32, #tpu.memory_space<hbm>>) dst(%arg14 : memref<80x128xf32, #tpu.memory_space<vmem>>)
      %mul3A_135 = arith.constant 80 : i32
      %mul3A_136 = arith.muli %add3A_112, %mul3A_135 : i32
      %add3A_137 = arith.addi %mul3A_2, %mul3A_136 : i32
      %dma_start3A_138 = arith.constant 0 : i32
      %dma_start3A_139 = tpu.memref_slice %arg4[%add3A_137, %dma_start3A_138] : memref<320000x128xf32, #tpu.memory_space<hbm>> -> memref<80x128xf32, #tpu.memory_space<hbm>>
      %dma_start3A_140 = arith.constant 0 : i32
      %dma_start3A_141 = tpu.memref_slice %arg4[%add3A_137, %dma_start3A_140] : memref<320000x128xf32, #tpu.memory_space<hbm>> -> memref<80x128xf32, #tpu.memory_space<hbm>>
      tpu.enqueue_dma source(%arg9 : memref<80x128xf32, #tpu.memory_space<vmem>>) target(%dma_start3A_141 : memref<80x128xf32, #tpu.memory_space<hbm>>) target_semaphore(%arg24 : memref<!tpu.dma_semaphore, #tpu.memory_space<semaphore_mem>>)
      %mul3A_142 = arith.constant 5 : i32
      %mul3A_143 = arith.muli %scan3A_46, %mul3A_142 : i32
      %add3A_144 = arith.constant 3 : i32
      %add3A_145 = arith.addi %mul3A_143, %add3A_144 : i32
      %ge3A_146 = arith.constant 3 : i32
      %ge3A_147 = arith.cmpi sge, %add3A_145, %ge3A_146 : i32
      %convert_element_type3A_148 = arith.extui %ge3A_147 : i1 to i32
      %cond3A_149 = arith.constant 0 : i32
      %cond3A_150 = arith.cmpi ne, %convert_element_type3A_148, %cond3A_149 : i32
      scf.if %cond3A_150 {
        %sub3A = arith.constant 3 : i32
        %sub3A_208 = arith.subi %add3A_145, %sub3A : i32
        %mul3A_209 = arith.constant 80 : i32
        %mul3A_210 = arith.muli %sub3A_208, %mul3A_209 : i32
        %add3A_211 = arith.addi %mul3A_2, %mul3A_210 : i32
        %dma_wait3A_212 = arith.constant 0 : i32
        %dma_wait3A_213 = tpu.memref_slice %arg4[%add3A_211, %dma_wait3A_212] : memref<320000x128xf32, #tpu.memory_space<hbm>> -> memref<80x128xf32, #tpu.memory_space<hbm>>
        %dma_wait3A_214 = arith.constant 0 : i32
        %dma_wait3A_215 = tpu.memref_slice %arg4[%add3A_211, %dma_wait3A_214] : memref<320000x128xf32, #tpu.memory_space<hbm>> -> memref<80x128xf32, #tpu.memory_space<hbm>>
        tpu.wait_dma2 semaphore(%arg22 : memref<!tpu.dma_semaphore, #tpu.memory_space<semaphore_mem>>) src(%arg7 : memref<80x128xf32, #tpu.memory_space<vmem>>) dst(%dma_wait3A_215 : memref<80x128xf32, #tpu.memory_space<hbm>>)
      } else {
      }
      %add3A_151 = arith.constant 2 : i32
      %add3A_152 = arith.addi %add3A_145, %add3A_151 : i32
      %lt3A_153 = arith.constant 125 : i32
      %lt3A_154 = arith.cmpi slt, %add3A_152, %lt3A_153 : i32
      %convert_element_type3A_155 = arith.extui %lt3A_154 : i1 to i32
      %cond3A_156 = arith.constant 0 : i32
      %cond3A_157 = arith.cmpi ne, %convert_element_type3A_155, %cond3A_156 : i32
      scf.if %cond3A_157 {
        %add3A_208 = arith.constant 2 : i32
        %add3A_209 = arith.addi %add3A_145, %add3A_208 : i32
        %mul3A_210 = arith.constant 80 : i32
        %mul3A_211 = arith.muli %add3A_209, %mul3A_210 : i32
        %dma_start3A_212 = tpu.memref_slice %arg5[%mul3A_211] : memref<10000xi32, #tpu.memory_space<vmem>> -> memref<80xi32, #tpu.memory_space<vmem>>
        %dma_start3A_213 = arith.constant 0 : i32
        %dma_start3A_214 = arith.constant 0 : i32
        %dma_start3A_215 = tpu.memref_slice %arg2[%dma_start3A_213, %dma_start3A_214] : memref<10000x128xf32, #tpu.memory_space<hbm>> -> memref<10000x128xf32, #tpu.memory_space<hbm>>
        tpu.enqueue_indirect_dma source(%dma_start3A_215 : memref<10000x128xf32, #tpu.memory_space<hbm>>) target(%arg7 : memref<80x128xf32, #tpu.memory_space<vmem>>) offsets(%dma_start3A_212 : memref<80xi32, #tpu.memory_space<vmem>>) semaphore(%arg17 : memref<!tpu.dma_semaphore, #tpu.memory_space<semaphore_mem>>)
        %dma_start3A_216 = tpu.memref_slice %arg6[%mul3A_211] : memref<10000xi32, #tpu.memory_space<vmem>> -> memref<80xi32, #tpu.memory_space<vmem>>
        %dma_start3A_217 = arith.constant 0 : i32
        %dma_start3A_218 = arith.constant 0 : i32
        %dma_start3A_219 = tpu.memref_slice %arg2[%dma_start3A_217, %dma_start3A_218] : memref<10000x128xf32, #tpu.memory_space<hbm>> -> memref<10000x128xf32, #tpu.memory_space<hbm>>
        tpu.enqueue_indirect_dma source(%dma_start3A_219 : memref<10000x128xf32, #tpu.memory_space<hbm>>) target(%arg12 : memref<80x128xf32, #tpu.memory_space<vmem>>) offsets(%dma_start3A_216 : memref<80xi32, #tpu.memory_space<vmem>>) semaphore(%arg17 : memref<!tpu.dma_semaphore, #tpu.memory_space<semaphore_mem>>)
      } else {
      }
      %mul3A_158 = arith.constant 80 : i32
      %mul3A_159 = arith.muli %add3A_145, %mul3A_158 : i32
      %dma_wait3A_160 = tpu.memref_slice %arg5[%mul3A_159] : memref<10000xi32, #tpu.memory_space<vmem>> -> memref<80xi32, #tpu.memory_space<vmem>>
      %dma_wait3A_161 = arith.constant 0 : i32
      %dma_wait3A_162 = arith.constant 0 : i32
      %dma_wait3A_163 = tpu.memref_slice %arg2[%dma_wait3A_161, %dma_wait3A_162] : memref<10000x128xf32, #tpu.memory_space<hbm>> -> memref<10000x128xf32, #tpu.memory_space<hbm>>
      tpu.wait_indirect_dma semaphore(%arg20 : memref<!tpu.dma_semaphore, #tpu.memory_space<semaphore_mem>>) src(%dma_wait3A_163 : memref<10000x128xf32, #tpu.memory_space<hbm>>) dst(%arg10 : memref<80x128xf32, #tpu.memory_space<vmem>>)
      %dma_wait3A_164 = tpu.memref_slice %arg6[%mul3A_159] : memref<10000xi32, #tpu.memory_space<vmem>> -> memref<80xi32, #tpu.memory_space<vmem>>
      %dma_wait3A_165 = arith.constant 0 : i32
      %dma_wait3A_166 = arith.constant 0 : i32
      %dma_wait3A_167 = tpu.memref_slice %arg2[%dma_wait3A_165, %dma_wait3A_166] : memref<10000x128xf32, #tpu.memory_space<hbm>> -> memref<10000x128xf32, #tpu.memory_space<hbm>>
      tpu.wait_indirect_dma semaphore(%arg20 : memref<!tpu.dma_semaphore, #tpu.memory_space<semaphore_mem>>) src(%dma_wait3A_167 : memref<10000x128xf32, #tpu.memory_space<hbm>>) dst(%arg15 : memref<80x128xf32, #tpu.memory_space<vmem>>)
      %mul3A_168 = arith.constant 80 : i32
      %mul3A_169 = arith.muli %add3A_145, %mul3A_168 : i32
      %add3A_170 = arith.addi %mul3A_2, %mul3A_169 : i32
      %dma_start3A_171 = arith.constant 0 : i32
      %dma_start3A_172 = tpu.memref_slice %arg4[%add3A_170, %dma_start3A_171] : memref<320000x128xf32, #tpu.memory_space<hbm>> -> memref<80x128xf32, #tpu.memory_space<hbm>>
      %dma_start3A_173 = arith.constant 0 : i32
      %dma_start3A_174 = tpu.memref_slice %arg4[%add3A_170, %dma_start3A_173] : memref<320000x128xf32, #tpu.memory_space<hbm>> -> memref<80x128xf32, #tpu.memory_space<hbm>>
      tpu.enqueue_dma source(%arg10 : memref<80x128xf32, #tpu.memory_space<vmem>>) target(%dma_start3A_174 : memref<80x128xf32, #tpu.memory_space<hbm>>) target_semaphore(%arg25 : memref<!tpu.dma_semaphore, #tpu.memory_space<semaphore_mem>>)
      %mul3A_175 = arith.constant 5 : i32
      %mul3A_176 = arith.muli %scan3A_46, %mul3A_175 : i32
      %add3A_177 = arith.constant 4 : i32
      %add3A_178 = arith.addi %mul3A_176, %add3A_177 : i32
      %ge3A_179 = arith.constant 3 : i32
      %ge3A_180 = arith.cmpi sge, %add3A_178, %ge3A_179 : i32
      %convert_element_type3A_181 = arith.extui %ge3A_180 : i1 to i32
      %cond3A_182 = arith.constant 0 : i32
      %cond3A_183 = arith.cmpi ne, %convert_element_type3A_181, %cond3A_182 : i32
      scf.if %cond3A_183 {
        %sub3A = arith.constant 3 : i32
        %sub3A_208 = arith.subi %add3A_178, %sub3A : i32
        %mul3A_209 = arith.constant 80 : i32
        %mul3A_210 = arith.muli %sub3A_208, %mul3A_209 : i32
        %add3A_211 = arith.addi %mul3A_2, %mul3A_210 : i32
        %dma_wait3A_212 = arith.constant 0 : i32
        %dma_wait3A_213 = tpu.memref_slice %arg4[%add3A_211, %dma_wait3A_212] : memref<320000x128xf32, #tpu.memory_space<hbm>> -> memref<80x128xf32, #tpu.memory_space<hbm>>
        %dma_wait3A_214 = arith.constant 0 : i32
        %dma_wait3A_215 = tpu.memref_slice %arg4[%add3A_211, %dma_wait3A_214] : memref<320000x128xf32, #tpu.memory_space<hbm>> -> memref<80x128xf32, #tpu.memory_space<hbm>>
        tpu.wait_dma2 semaphore(%arg23 : memref<!tpu.dma_semaphore, #tpu.memory_space<semaphore_mem>>) src(%arg8 : memref<80x128xf32, #tpu.memory_space<vmem>>) dst(%dma_wait3A_215 : memref<80x128xf32, #tpu.memory_space<hbm>>)
      } else {
      }
      %add3A_184 = arith.constant 2 : i32
      %add3A_185 = arith.addi %add3A_178, %add3A_184 : i32
      %lt3A_186 = arith.constant 125 : i32
      %lt3A_187 = arith.cmpi slt, %add3A_185, %lt3A_186 : i32
      %convert_element_type3A_188 = arith.extui %lt3A_187 : i1 to i32
      %cond3A_189 = arith.constant 0 : i32
      %cond3A_190 = arith.cmpi ne, %convert_element_type3A_188, %cond3A_189 : i32
      scf.if %cond3A_190 {
        %add3A_208 = arith.constant 2 : i32
        %add3A_209 = arith.addi %add3A_178, %add3A_208 : i32
        %mul3A_210 = arith.constant 80 : i32
        %mul3A_211 = arith.muli %add3A_209, %mul3A_210 : i32
        %dma_start3A_212 = tpu.memref_slice %arg5[%mul3A_211] : memref<10000xi32, #tpu.memory_space<vmem>> -> memref<80xi32, #tpu.memory_space<vmem>>
        %dma_start3A_213 = arith.constant 0 : i32
        %dma_start3A_214 = arith.constant 0 : i32
        %dma_start3A_215 = tpu.memref_slice %arg2[%dma_start3A_213, %dma_start3A_214] : memref<10000x128xf32, #tpu.memory_space<hbm>> -> memref<10000x128xf32, #tpu.memory_space<hbm>>
        tpu.enqueue_indirect_dma source(%dma_start3A_215 : memref<10000x128xf32, #tpu.memory_space<hbm>>) target(%arg8 : memref<80x128xf32, #tpu.memory_space<vmem>>) offsets(%dma_start3A_212 : memref<80xi32, #tpu.memory_space<vmem>>) semaphore(%arg18 : memref<!tpu.dma_semaphore, #tpu.memory_space<semaphore_mem>>)
        %dma_start3A_216 = tpu.memref_slice %arg6[%mul3A_211] : memref<10000xi32, #tpu.memory_space<vmem>> -> memref<80xi32, #tpu.memory_space<vmem>>
        %dma_start3A_217 = arith.constant 0 : i32
        %dma_start3A_218 = arith.constant 0 : i32
        %dma_start3A_219 = tpu.memref_slice %arg2[%dma_start3A_217, %dma_start3A_218] : memref<10000x128xf32, #tpu.memory_space<hbm>> -> memref<10000x128xf32, #tpu.memory_space<hbm>>
        tpu.enqueue_indirect_dma source(%dma_start3A_219 : memref<10000x128xf32, #tpu.memory_space<hbm>>) target(%arg13 : memref<80x128xf32, #tpu.memory_space<vmem>>) offsets(%dma_start3A_216 : memref<80xi32, #tpu.memory_space<vmem>>) semaphore(%arg18 : memref<!tpu.dma_semaphore, #tpu.memory_space<semaphore_mem>>)
      } else {
      }
      %mul3A_191 = arith.constant 80 : i32
      %mul3A_192 = arith.muli %add3A_178, %mul3A_191 : i32
      %dma_wait3A_193 = tpu.memref_slice %arg5[%mul3A_192] : memref<10000xi32, #tpu.memory_space<vmem>> -> memref<80xi32, #tpu.memory_space<vmem>>
      %dma_wait3A_194 = arith.constant 0 : i32
      %dma_wait3A_195 = arith.constant 0 : i32
      %dma_wait3A_196 = tpu.memref_slice %arg2[%dma_wait3A_194, %dma_wait3A_195] : memref<10000x128xf32, #tpu.memory_space<hbm>> -> memref<10000x128xf32, #tpu.memory_space<hbm>>
      tpu.wait_indirect_dma semaphore(%arg21 : memref<!tpu.dma_semaphore, #tpu.memory_space<semaphore_mem>>) src(%dma_wait3A_196 : memref<10000x128xf32, #tpu.memory_space<hbm>>) dst(%arg11 : memref<80x128xf32, #tpu.memory_space<vmem>>)
      %dma_wait3A_197 = tpu.memref_slice %arg6[%mul3A_192] : memref<10000xi32, #tpu.memory_space<vmem>> -> memref<80xi32, #tpu.memory_space<vmem>>
      %dma_wait3A_198 = arith.constant 0 : i32
      %dma_wait3A_199 = arith.constant 0 : i32
      %dma_wait3A_200 = tpu.memref_slice %arg2[%dma_wait3A_198, %dma_wait3A_199] : memref<10000x128xf32, #tpu.memory_space<hbm>> -> memref<10000x128xf32, #tpu.memory_space<hbm>>
      tpu.wait_indirect_dma semaphore(%arg21 : memref<!tpu.dma_semaphore, #tpu.memory_space<semaphore_mem>>) src(%dma_wait3A_200 : memref<10000x128xf32, #tpu.memory_space<hbm>>) dst(%arg16 : memref<80x128xf32, #tpu.memory_space<vmem>>)
      %mul3A_201 = arith.constant 80 : i32
      %mul3A_202 = arith.muli %add3A_178, %mul3A_201 : i32
      %add3A_203 = arith.addi %mul3A_2, %mul3A_202 : i32
      %dma_start3A_204 = arith.constant 0 : i32
      %dma_start3A_205 = tpu.memref_slice %arg4[%add3A_203, %dma_start3A_204] : memref<320000x128xf32, #tpu.memory_space<hbm>> -> memref<80x128xf32, #tpu.memory_space<hbm>>
      %dma_start3A_206 = arith.constant 0 : i32
      %dma_start3A_207 = tpu.memref_slice %arg4[%add3A_203, %dma_start3A_206] : memref<320000x128xf32, #tpu.memory_space<hbm>> -> memref<80x128xf32, #tpu.memory_space<hbm>>
      tpu.enqueue_dma source(%arg11 : memref<80x128xf32, #tpu.memory_space<vmem>>) target(%dma_start3A_207 : memref<80x128xf32, #tpu.memory_space<hbm>>) target_semaphore(%arg26 : memref<!tpu.dma_semaphore, #tpu.memory_space<semaphore_mem>>)
    }
    %scan3A_28 = arith.constant 25 : i32
    %add3A_29 = arith.constant 9760 : i32
    %add3A_30 = arith.addi %mul3A_2, %add3A_29 : i32
    %dma_wait3A = arith.constant 0 : i32
    %dma_wait3A_31 = tpu.memref_slice %arg4[%add3A_30, %dma_wait3A] : memref<320000x128xf32, #tpu.memory_space<hbm>> -> memref<80x128xf32, #tpu.memory_space<hbm>>
    %dma_wait3A_32 = arith.constant 0 : i32
    %dma_wait3A_33 = tpu.memref_slice %arg4[%add3A_30, %dma_wait3A_32] : memref<320000x128xf32, #tpu.memory_space<hbm>> -> memref<80x128xf32, #tpu.memory_space<hbm>>
    tpu.wait_dma2 semaphore(%arg24 : memref<!tpu.dma_semaphore, #tpu.memory_space<semaphore_mem>>) src(%arg9 : memref<80x128xf32, #tpu.memory_space<vmem>>) dst(%dma_wait3A_33 : memref<80x128xf32, #tpu.memory_space<hbm>>)
    %add3A_34 = arith.constant 9840 : i32
    %add3A_35 = arith.addi %mul3A_2, %add3A_34 : i32
    %dma_wait3A_36 = arith.constant 0 : i32
    %dma_wait3A_37 = tpu.memref_slice %arg4[%add3A_35, %dma_wait3A_36] : memref<320000x128xf32, #tpu.memory_space<hbm>> -> memref<80x128xf32, #tpu.memory_space<hbm>>
    %dma_wait3A_38 = arith.constant 0 : i32
    %dma_wait3A_39 = tpu.memref_slice %arg4[%add3A_35, %dma_wait3A_38] : memref<320000x128xf32, #tpu.memory_space<hbm>> -> memref<80x128xf32, #tpu.memory_space<hbm>>
    tpu.wait_dma2 semaphore(%arg25 : memref<!tpu.dma_semaphore, #tpu.memory_space<semaphore_mem>>) src(%arg10 : memref<80x128xf32, #tpu.memory_space<vmem>>) dst(%dma_wait3A_39 : memref<80x128xf32, #tpu.memory_space<hbm>>)
    %add3A_40 = arith.constant 9920 : i32
    %add3A_41 = arith.addi %mul3A_2, %add3A_40 : i32
    %dma_wait3A_42 = arith.constant 0 : i32
    %dma_wait3A_43 = tpu.memref_slice %arg4[%add3A_41, %dma_wait3A_42] : memref<320000x128xf32, #tpu.memory_space<hbm>> -> memref<80x128xf32, #tpu.memory_space<hbm>>
    %dma_wait3A_44 = arith.constant 0 : i32
    %dma_wait3A_45 = tpu.memref_slice %arg4[%add3A_41, %dma_wait3A_44] : memref<320000x128xf32, #tpu.memory_space<hbm>> -> memref<80x128xf32, #tpu.memory_space<hbm>>
    tpu.wait_dma2 semaphore(%arg26 : memref<!tpu.dma_semaphore, #tpu.memory_space<semaphore_mem>>) src(%arg11 : memref<80x128xf32, #tpu.memory_space<vmem>>) dst(%dma_wait3A_45 : memref<80x128xf32, #tpu.memory_space<hbm>>)
    return
  }
}

</mosaic_0001>

<sc_bundles>
// kernel: kernel.3.cloned.1.call-start
scs
__scs_entry_jumppad:
0x0: {  	(pc) =	sbr.rel $0x88, $3  }
0x1: {  	(tag) =	ssettag $0x0;
	lr =	simm.s32 $0x1  }
0x2: {  	[smem:$0x3F9F] =	sst lr;
	_ =	strace $0xD0000000  }
0x3: {  	_ = 	snop  }
0x4: {  	_ = 	snop  }
0x5: {  	_ = 	snop  }
0x6: {  	_ = 	snop  }
0x7: {  	_ = 	snop  }
__scs_overlays_trampoline_lowered:
0x8: {  	[smem:$0x3FAE] =	sst s0  }
0x9: {  	[smem:$0x3FAF] =	sst s1  }
0xa: {  	[smem:$0x3FB0] =	sst s2  }
0xb: {  	[smem:$0x3FB1] =	sst s3  }
0xc: {  	[smem:$0x3FB2] =	sst s4  }
0xd: {  	[smem:$0x3FB3] =	sst s5  }
0xe: {  	[smem:$0x3FB4] =	sst s6  }
0xf: {  	[smem:$0x3FB5] =	sst s7  }
0x10: {  	[smem:$0x3FB6] =	sst s8  }
0x11: {  	[smem:$0x3FB7] =	sst s9;
	s0 =	simm.s32 @!p0 $0x0  }
0x12: {  	s1 =	sld [smem:$0x3F9D];
	s0 =	simm.s32 @p0 $0x1  }
0x13: {  	[smem:$0x3FB8] =	sst s0;
	s0 =	simm.s32 @!p1 $0x0  }
0x14: {  	s2 =	sld [smem:$0x3F9C];
	s0 =	simm.s32 @p1 $0x1  }
0x15: {  	[smem:$0x3FB9] =	sst s0;
	s0 =	simm.s32 @!p2 $0x0  }
0x16: {  	s3 =	sld [smem:$0x3FDB];
	s0 =	simm.s32 @p2 $0x1  }
0x17: {  	s4 =	simm.s32 $0x1BF5;
	[smem:$0x3FBB] =	sst s0  }
0x18: {  	s0 =	sld [smem:$0x3F9E];
	_ =	swait.ge [sflag:s4], $0x0  }
0x19: {  	s7 =	sld [smem:$0x3F9F]  }
0x1a: {  	s8 =	sadd.s32 $0xFFFFE003, lr  }
0x1b: {  	s9 =	sadd.s32 $0xFFFFFEF7, lr;
	s5 =	simm.s32 $0xFFFFFFFF;
	p2 =	slt.u32 s8, $0xFFFFF086  }
0x1c: {  	p1 =	slt.u32 s9, $0xF7A;
	s5 =	simm.s32 @!p2 $0x0  }
0x1d: {  	s5 =	simm.s32 @p1 $0x1;
	p0 =	seq.s32 s7, s2  }
0x1e: {  	s7 =	smul.u32 @!p0 $0xF7A, s2;
	p2 =	seq.s32 @!p0 s5, $0x0  }
0x1f: {  	s9 =	smul.u32 $0xF7A, s1;
	s8 =	simm.s32 @!p0 $0x1BF5;
	p2 =	por !p2, p0  }
0x20: {  	[sflag:s8] =	ssyncset.s32 @!p0 $0xFFFFF086;
	s6 =	sadd.s32 @!p0 s3, s7;
	s7 =	simm.s32 @!p0 $0x108  }
0x21: {  	s3 =	sadd.s32 s3, s9;
	s6 =	sadd.s32 @!p0 $0x88, s6;
	s7 =	simm.s32 @p2 $0x1082  }
0x22: {  	[simem:s7], [sflag:s8] =	dma.local @!p0 [hbm:s6], $0xF7A  }
0x23: {  	s9 =	sor.u32 $0xD0000000, s2;
	s6 =	simm.s32 $0x108;
	_ =	swait.ge @!p0 [sflag:s8], $0x0  }
0x24: {  	s3 =	sadd.s32 $0x88, s3;
	s6 =	simm.s32 @!p1 $0x1082;
	[sflag:s4] =	ssyncset.s32 $0xFFFFF086  }
0x25: {  	[simem:s6], [sflag:s4] =	dma.local [hbm:s3], $0xF7A  }
0x26: {  	[smem:$0x3F9F] =	sst s1;
	(tag) =	ssettag s2;
	_ =	strace s9  }
0x27: {  	s1 =	sld [smem:$0x3FAF]  }
0x28: {  	s2 =	sld [smem:$0x3FB0]  }
0x29: {  	s4 =	sld [smem:$0x3FB2]  }
0x2a: {  	p0 =	seq.s32 s5, $0x0;
	s5 =	sld [smem:$0x3FB3]  }
0x2b: {  	s6 =	sld [smem:$0x3FB4]  }
0x2c: {  	s7 =	sld [smem:$0x3FB5]  }
0x2d: {  	s3 =	simm.s32 $0x108;
	s8 =	sld [smem:$0x3FB6]  }
0x2e: {  	s3 =	simm.s32 @!p0 $0x1082;
	s9 =	sld [smem:$0x3FB7]  }
0x2f: {  	lr =	sadd.s32 s0, s3;
	s0 =	sld [smem:$0x3FAE]  }
0x30: {  	s3 =	sld [smem:$0x3FB1]  }
0x31: {  	[smem:$0x3FBA] =	sst s10  }
0x32: {  	s10 =	sld [smem:$0x3FB8];
	_ =	sdelay $0x3  }
0x33: {  	p0 =	seq.s32 s10, $0x1;
	s10 =	sld [smem:$0x3FBA];
	_ =	sdelay $0x3  }
0x34: {  	[smem:$0x3FBA] =	sst s10  }
0x35: {  	s10 =	sld [smem:$0x3FB9];
	_ =	sdelay $0x3  }
0x36: {  	p1 =	seq.s32 s10, $0x1;
	s10 =	sld [smem:$0x3FBA];
	_ =	sdelay $0x3  }
0x37: {  	[smem:$0x3FBA] =	sst s10  }
0x38: {  	s10 =	sld [smem:$0x3FBB]  }
0x39: {  	_ = 	snop;
	(pc) =	sbr.ind lr, $3  }
0x3a: {  	_ = 	snop  }
0x3b: {  	_ = 	snop  }
0x3c: {  	p2 =	seq.s32 s10, $0x1;
	s10 =	sld [smem:$0x3FBA]  }
0x3d: {  	_ =	shalt  }
0x3e: {  	_ =	shalt  }
0x3f: {  	_ =	shalt  }
0x40: {  	_ =	shalt  }
0x41: {  	_ =	shalt  }
0x42: {  	_ =	shalt  }
0x43: {  	_ =	shalt  }
0x44: {  	_ =	shalt  }
0x45: {  	_ =	shalt  }
0x46: {  	_ =	shalt  }
0x47: {  	_ =	shalt  }
0x48: {  	_ =	shalt  }
0x49: {  	_ =	shalt  }
0x4a: {  	_ =	shalt  }
0x4b: {  	_ =	shalt  }
0x4c: {  	_ =	shalt  }
0x4d: {  	_ =	shalt  }
0x4e: {  	_ =	shalt  }
0x4f: {  	_ =	shalt  }
0x50: {  	_ =	shalt  }
0x51: {  	_ =	shalt  }
0x52: {  	_ =	shalt  }
0x53: {  	_ =	shalt  }
0x54: {  	_ =	shalt  }
0x55: {  	_ =	shalt  }
0x56: {  	_ =	shalt  }
0x57: {  	_ =	shalt  }
0x58: {  	_ =	shalt  }
0x59: {  	_ =	shalt  }
0x5a: {  	_ =	shalt  }
0x5b: {  	_ =	shalt  }
0x5c: {  	_ =	shalt  }
0x5d: {  	_ =	shalt  }
0x5e: {  	_ =	shalt  }
0x5f: {  	_ =	shalt  }
0x60: {  	_ =	shalt  }
0x61: {  	_ =	shalt  }
0x62: {  	_ =	shalt  }
0x63: {  	_ =	shalt  }
0x64: {  	_ =	shalt  }
0x65: {  	_ =	shalt  }
0x66: {  	_ =	shalt  }
0x67: {  	_ =	shalt  }
0x68: {  	_ =	shalt  }
0x69: {  	_ =	shalt  }
0x6a: {  	_ =	shalt  }
0x6b: {  	_ =	shalt  }
0x6c: {  	_ =	shalt  }
0x6d: {  	_ =	shalt  }
0x6e: {  	_ =	shalt  }
0x6f: {  	_ =	shalt  }
0x70: {  	_ =	shalt  }
0x71: {  	_ =	shalt  }
0x72: {  	_ =	shalt  }
0x73: {  	_ =	shalt  }
0x74: {  	_ =	shalt  }
0x75: {  	_ =	shalt  }
0x76: {  	_ =	shalt  }
0x77: {  	_ =	shalt  }
0x78: {  	_ =	shalt  }
0x79: {  	_ =	shalt  }
0x7a: {  	_ =	shalt  }
0x7b: {  	_ =	shalt  }
0x7c: {  	_ =	shalt  }
0x7d: {  	_ =	shalt  }
0x7e: {  	_ =	shalt  }
0x7f: {  	_ =	shalt  }
0x80: {  	_ =	shalt  }
0x81: {  	_ =	shalt  }
0x82: {  	_ =	shalt  }
0x83: {  	_ =	shalt  }
0x84: {  	_ =	shalt  }
0x85: {  	_ =	shalt  }
0x86: {  	_ =	shalt  }
0x87: {  	_ =	shalt  }
.Lfunc_end0:
.L_simem_size_0:
called_computation_lowered:
.L_overlay_start_0:
0x88: {  	s2 =	sld [smem:$0x3FD9]  }
0x89: {  	s3 =	sld [smem:$0x3FFE];
	_ =	sdelay $0x1  }
0x8a: {  	s1 =	srdreg.scid  }
0x8b: {  	s0 =	sand.u32 $0x1, s1  }
0x8c: {  	s17 =	sshll.u32 s0, $0xA;
	s2 =	sadd.s32 s3, s2  }
0x8d: {  	s2 =	sadd.s32 s2, s17  }
0x8e: {  	[smem:$0x3FC6] =	sst s2  }
0x8f: {  	_ = 	snop  }
0x90: {  	s2 =	sld [smem:$0x3FC9]  }
0x91: {  	s18 =	sld [smem:$0x3FD0];
	(tm) =	ssettm $0x1  }
0x92: {  	s4 =	sld [smem:$0x3FFB];
	_ =	sdelay $0x3  }
0x93: {  	_ =	strace s4  }
0x94: {  	s4 =	sld [smem:$0x3FFC];
	_ =	sdelay $0x3  }
0x95: {  	_ =	strace s4  }
0x96: {  	s4 =	sld [smem:$0x3FFD];
	_ =	sdelay $0x3  }
0x97: {  	_ =	strace s4  }
0x98: {  	_ =	strace $0x8FFFFFFF  }
0x99: {  	s19 =	sld [smem:$0x3FDB];
	_ =	sdelay $0x1  }
0x9a: {  	s5 =	simm.s32 $_scs_section_size  }
0x9b: {  	s6 =	simm.s32 $_size__tile_overlayer_lowered;
	s7 =	simm.s32 $_tile_overlayer_lowered  }
0x9c: {  	s22 =	simm.s32 $0x1BFF;
	s21 =	sshll.u32 s7, $0x1;
	s4 =	sadd.s32 s5, s19  }
0x9d: {  	s8 =	simm.s32 $0x0;
	s20 =	sshll.u32 s6, $0x1;
	s6 =	sadd.s32 s21, s4  }
0x9e: {  	[timem:s8], [sflag:s22] =	dma.local [hbm:s6], s20  }
0x9f: {  	_ =	swait.ge [sflag:s22], s20  }
0xa0: {  	s5 =	ssub.s32 $0x0, s20;
	[sflag:s22] =	ssyncset.done $0x0  }
0xa1: {  	[sflag:s22] =	ssyncadd.s32 s5;
	_ =	sdelay $0x1  }
0xa2: {  	s23 =	simm.s32 $0x1B8B  }
0xa3: {  	_ =	swait.ge [sflag:s23], $0x1  }
0xa4: {  	[sflag:s23] =	ssyncset.done $0x0  }
0xa5: {  	s25 =	simm.s32 $0x1B8E;
	s24 =	sld [smem:$0x3FFE];
	[sflag:s23] =	ssyncadd.s32 $0xFFFFFFFF  }
0xa6: {  	s26 =	simm.s32 $execute0_lowered;
	[smem:$0x3FD2] =	sst s25  }
0xa7: {  	s6 =	sshll.u32 s26, $0x1;
	_ =	strace $0x80000046;
	[dreg:$0x1] =	wrdreg $0xFFFFFFFF  }
0xa8: {  	s28 =	simm.s32 $_size_execute0_lowered;
	s4 =	sadd.s32 s4, s6;
	[dreg:$0x0] =	wrdreg $0x0  }
0xa9: {  	s6 =	sshll.u32 s28, $0x1;
	[dreg:$0x2] =	wrdreg s4  }
0xaa: {  	[dreg:$0x3] =	wrdreg s6  }
0xab: {  	[dreg:$0x4] =	wrdreg $0xC0  }
0xac: {  	_ =	task [dreg:s8], $0x5FFFF  }
0xad: {  	[dreg:$0x1] =	wrdreg $0xFFFFFFFF  }
0xae: {  	[dreg:$0x0] =	wrdreg $0x60  }
0xaf: {  	[dreg:$0x2] =	wrdreg s2  }
0xb0: {  	[dreg:$0x3] =	wrdreg s24  }
0xb1: {  	[dreg:$0x4] =	wrdreg s18  }
0xb2: {  	[dreg:$0x5] =	wrdreg $0x9  }
0xb3: {  	_ =	task.clear_ibuf [dreg:s8], $0x6FFFF;
	_ =	strace $0x90000046  }
0xb4: {  	s29 =	simm.s32 $0x9;
	_ =	strace $0x80000048  }
0xb5: {  	_ =	swait.ge [sflag:s29], $0x1  }
0xb6: {  	[sflag:s29] =	ssyncadd.s32 $0xFFFFFFFF  }
0xb7: {  	_ =	strace $0x90000048  }
0xb8: {  	_ =	sfence  }
0xb9: {  	s30 =	sld [smem:$0x0];
	_ =	sdelay $0x2  }
0xba: {  	s31 =	sshll.u32 s1, $0xD;
	s1 =	sshrl.u32 s1, $0x2  }
0xbb: {  	s3 =	sand.u32 $0x4000, s31;
	s1 =	sadd.s32 s1, s30  }
0xbc: {  	s0 =	sor.u32 s3, s0;
	s1 =	sshll.u32 s1, $0x11  }
0xbd: {  	s0 =	sor.u32 s1, s0  }
0xbe: {  	s0 =	sadd.s32 $0x8F2B, s0  }
0xbf: {  	[sflag:s0] =	ssyncadd.remote.s32 $0x1  }
0xc0: {  	_ =	sfence.sel $0xFFFF  }
0xc1: {  	[dreg:$0x0] =	wrdreg $0xFFFFFFFF;
	(pc) =	sbr.abs _section_cstart, $3  }
0xc2: {  	[dreg:$0x1] =	wrdreg $0xFFFFFFFF  }
0xc3: {  	_ =	task.clear_ibuf [dreg:s8], $0x2FFFF;
	_ =	strace $0x9FFFFFFF  }
0xc4: {  	(tm) =	ssettm $0x7FFFFFFF  }
0xc5: {  	_ =	shalt  }
tec
execute0_lowered:
.L_overlay_start_1:
0x0: {  	(tag) =	ssettag $0x1  }
0x1: {  	s1 =	rddreg [dreg:$0x0]  }
0x2: {  	s0 =	rddreg [dreg:$0x1];
	s2 =	srdreg.scid  }
0x3: {  	s7 =	stileid.u32;
	s4 =	rddreg [dreg:$0x2];
	s3 =	simm.s32 $0x0  }
0x4: {  	s10 =	simm.s32 $0x50;
	s11 =	simm.s32 $0x4F00;
	s13 =	simm.s32 $0x7700  }
0x5: {  	s16 =	simm.s32 $0x9F00;
	s25 =	simm.s32 $0x16700;
	s17 =	simm.s32 $0x1  }
0x6: {  	s26 =	simm.s32 $0x18F00;
	s18 =	simm.s32 $0xC700;
	s31 =	simm.s32 $0x1B700  }
0x7: {  	s19 =	simm.s32 $0x2;
	s20 =	simm.s32 $0xEF00;
	s21 =	simm.s32 $0x3  }
0x8: {  	s22 =	simm.s32 $0x6;
	s28 =	simm.s32 $0x9;
	s29 =	simm.s32 $0xA  }
0x9: {  	s2 =	sand.u32 $0x1, s2;
	s5 =	sshll.u32 s7, $0x1;
	[smem:$0x7FF] =	sst s3  }
0xa: {  	s7 =	smul.u32 $0x4E200, s7;
	s5 =	sor.u32 s2, s5;
	_ =	strace $0x80000047  }
0xb: {  	s6 =	ssub.s32 $0x2, s2;
	s2 =	smul.u32 $0x27100, s2;
	[dreg:$0x4] =	wrdreg s25  }
0xc: {  	s30 =	simm.s32 $0x0;
	[dreg:$0x5] =	wrdreg s26;
	s5 =	smul.u32 $0x2710, s5  }
0xd: {  	[dreg:$0x6] =	wrdreg s31;
	s25 =	simm.s32 $0x5;
	s26 =	simm.s32 $0x8  }
0xe: {  	s8 =	sshrl.u32 s6, $0x1;
	s7 =	sadd.s32 s7, s4;
	s5 =	sshrl.u32 s5, $0x3  }
0xf: {  	s6 =	ssub.s32 s6, s8;
	s24 =	sadd.s32 s2, s7;
	s0 =	sadd.s32 s5, s0  }
0x10: {  	s8 =	simm.s32 $0xB;
	s6 =	smax.u32 s6, $0x1;
	s23 =	sadd.s32 $0x400, s0  }
0x11: {  	s12 =	sadd.s32 $0x1400, s24;
	s0 =	sadd.s32 $0xA040, s0;
	[dreg:$0x7] =	wrdreg s23  }
0x12: {  	s24 =	simm.s32 $0x7;
	[dreg:$0x8] =	wrdreg s0;
	s23 =	simm.s32 $0x4  }
.LBB2_1:
0x13: {  	s0 =	rddreg [dreg:$0x7]  }
0x14: {  	[tilespmem:s3], [sflag:$0xB] =	stream.linear.gather [hbm4b:s0+s3], $0x2710, $0x38;
	[tilespmem:$0x1DF00] =	vst v63  }
0x15: {  	_ =	swait.ge [sflag:s8], $0x2710  }
0x16: {  	[sflag:s8] =	ssyncset.done $0x0  }
0x17: {  	s2 =	simm.s32 $0x2780;
	s7 =	rddreg [dreg:$0x8];
	[sflag:s8] =	ssyncadd.s32 $0xFFFFD8F0  }
0x18: {  	[tilespmem:s2], [sflag:$0xB] =	stream.linear.gather [hbm4b:s7+s3], $0x2710, $0x38;
	[tilespmem:$0x1DF00] =	vst v63  }
0x19: {  	_ =	swait.ge [sflag:s8], $0x2710  }
0x1a: {  	[sflag:s8] =	ssyncset.done $0x0  }
0x1b: {  	[sflag:s8] =	ssyncadd.s32 $0xFFFFD8F0  }
0x1c: {  	[tilespmem:s11], [sflag:$0x1] =	stream.indirect.gather [hbm4b:s1+s10], $0x80, s3, s10, $0xb8;
	[tilespmem:$0x1DF00] =	vst v63  }
0x1d: {  	s9 =	simm.s32 $0x11700  }
0x1e: {  	[tilespmem:s9], [sflag:$0x1] =	stream.indirect.gather [hbm4b:s1+s10], $0x80, s2, s10, $0xb8;
	[tilespmem:$0x1DF00] =	vst v63  }
0x1f: {  	p0 =	por $0x1, $0x1  }
0x20: {  	[tilespmem:s13], [sflag:$0x2] =	stream.indirect.gather [hbm4b:s1+s10], $0x80, s10, s10, $0xb8;
	[tilespmem:$0x1DF00] =	vst v63  }
0x21: {  	s14 =	simm.s32 $0x27D0;
	s15 =	simm.s32 $0x13F00;
	s0 =	simm.s32 @!p0 $0x8  }
0x22: {  	[tilespmem:s15], [sflag:$0x2] =	stream.indirect.gather [hbm4b:s1+s10], $0x80, s14, s10, $0xb8;
	[tilespmem:$0x1DF00] =	vst v63  }
0x23: {  	_ =	swait.ge @!p0 [sflag:s0], $0x2800  }
0x24: {  	[sflag:s0] =	ssyncset.done @!p0 $0x0  }
0x25: {  	s2 =	simm.s32 $0xA0;
	[sflag:s0] =	ssyncadd.s32 @!p0 $0xFFFFD800  }
0x26: {  	[tilespmem:s16], [sflag:$0x3] =	stream.indirect.gather [hbm4b:s1+s10], $0x80, s2, s10, $0xb8;
	[tilespmem:$0x1DF00] =	vst v63  }
0x27: {  	s5 =	simm.s32 $0x2820;
	s4 =	rddreg [dreg:$0x4]  }
0x28: {  	[tilespmem:s4], [sflag:$0x3] =	stream.indirect.gather [hbm4b:s1+s10], $0x80, s5, s10, $0xb8;
	[tilespmem:$0x1DF00] =	vst v63  }
0x29: {  	_ =	swait.ge [sflag:s17], $0x2800  }
0x2a: {  	[sflag:s17] =	ssyncset.done $0x0  }
0x2b: {  	[sflag:s17] =	ssyncadd.s32 $0xFFFFD800  }
0x2c: {  	_ =	swait.ge [sflag:s17], $0x2800  }
0x2d: {  	[sflag:s17] =	ssyncset.done $0x0  }
0x2e: {  	s7 =	sadd.s32 $0xFFFFEC00, s12;
	s2 =	simm.s32 @!p0 $0x9;
	[sflag:s17] =	ssyncadd.s32 $0xFFFFD800  }
0x2f: {  	[hbm4b:s7+s3] =	stream.linear.scatter [tilespmem:s11], [sflag:$0x6], $0x2800, $0x38;
	[tilespmem:$0x1DF00] =	vst v63  }
0x30: {  	_ =	swait.ge @!p0 [sflag:s2], $0x2800  }
0x31: {  	[sflag:s2] =	ssyncset.done @!p0 $0x0  }
0x32: {  	s9 =	simm.s32 $0xF0;
	[sflag:s2] =	ssyncadd.s32 @!p0 $0xFFFFD800  }
0x33: {  	[tilespmem:s18], [sflag:$0x4] =	stream.indirect.gather [hbm4b:s1+s10], $0x80, s9, s10, $0xb8;
	[tilespmem:$0x1DF00] =	vst v63  }
0x34: {  	s15 =	simm.s32 $0x2870;
	s14 =	rddreg [dreg:$0x5]  }
0x35: {  	[tilespmem:s14], [sflag:$0x4] =	stream.indirect.gather [hbm4b:s1+s10], $0x80, s15, s10, $0xb8;
	[tilespmem:$0x1DF00] =	vst v63  }
0x36: {  	_ =	swait.ge [sflag:s19], $0x2800  }
0x37: {  	[sflag:s19] =	ssyncset.done $0x0  }
0x38: {  	[sflag:s19] =	ssyncadd.s32 $0xFFFFD800  }
0x39: {  	_ =	swait.ge [sflag:s19], $0x2800  }
0x3a: {  	[sflag:s19] =	ssyncset.done $0x0  }
0x3b: {  	s4 =	sadd.s32 $0xFFFFF100, s12;
	s2 =	simm.s32 @!p0 $0xA;
	[sflag:s19] =	ssyncadd.s32 $0xFFFFD800  }
0x3c: {  	[hbm4b:s4+s3] =	stream.linear.scatter [tilespmem:s13], [sflag:$0x7], $0x2800, $0x38;
	[tilespmem:$0x1DF00] =	vst v63  }
0x3d: {  	_ =	swait.ge @!p0 [sflag:s2], $0x2800  }
0x3e: {  	[sflag:s2] =	ssyncset.done @!p0 $0x0  }
0x3f: {  	s5 =	simm.s32 $0x140;
	[sflag:s2] =	ssyncadd.s32 @!p0 $0xFFFFD800  }
0x40: {  	[tilespmem:s20], [sflag:$0x5] =	stream.indirect.gather [hbm4b:s1+s10], $0x80, s5, s10, $0xb8;
	[tilespmem:$0x1DF00] =	vst v63  }
0x41: {  	s9 =	simm.s32 $0x28C0;
	s7 =	rddreg [dreg:$0x6]  }
0x42: {  	[tilespmem:s7], [sflag:$0x5] =	stream.indirect.gather [hbm4b:s1+s10], $0x80, s9, s10, $0xb8;
	[tilespmem:$0x1DF00] =	vst v63  }
0x43: {  	_ =	swait.ge [sflag:s21], $0x2800  }
0x44: {  	[sflag:s21] =	ssyncset.done $0x0  }
0x45: {  	[sflag:s21] =	ssyncadd.s32 $0xFFFFD800  }
0x46: {  	_ =	swait.ge [sflag:s21], $0x2800  }
0x47: {  	[sflag:s21] =	ssyncset.done $0x0  }
0x48: {  	s14 =	sadd.s32 $0xFFFFF600, s12;
	[sflag:s21] =	ssyncadd.s32 $0xFFFFD800  }
0x49: {  	[hbm4b:s14+s3] =	stream.linear.scatter [tilespmem:s16], [sflag:$0x8], $0x2800, $0x38;
	[tilespmem:$0x1DF00] =	vst v63  }
0x4a: {  	p0 =	por $0x0, $0x0;
	_ =	swait.ge [sflag:s22], $0x2800  }
0x4b: {  	s0 =	simm.s32 @!p0 $0x4F00;
	[sflag:s22] =	ssyncset.done $0x0  }
0x4c: {  	s2 =	simm.s32 @!p0 $0x190;
	s7 =	simm.s32 @!p0 $0x50;
	[sflag:s22] =	ssyncadd.s32 $0xFFFFD800  }
0x4d: {  	[tilespmem:s0], [sflag:$0x1] =	stream.indirect.gather @!p0 [hbm4b:s1+s7], $0x80, s2, s7, $0xb8;
	[tilespmem:$0x1DF00] =	vst v63  }
0x4e: {  	s0 =	simm.s32 @!p0 $0x2910;
	s2 =	simm.s32 @!p0 $0x11700  }
0x4f: {  	[tilespmem:s2], [sflag:$0x1] =	stream.indirect.gather @!p0 [hbm4b:s1+s7], $0x80, s0, s7, $0xb8;
	[tilespmem:$0x1DF00] =	vst v63  }
0x50: {  	_ =	swait.ge [sflag:s23], $0x2800  }
0x51: {  	[sflag:s23] =	ssyncset.done $0x0  }
0x52: {  	[sflag:s23] =	ssyncadd.s32 $0xFFFFD800  }
0x53: {  	_ =	swait.ge [sflag:s23], $0x2800  }
0x54: {  	[sflag:s23] =	ssyncset.done $0x0  }
0x55: {  	s15 =	sadd.s32 $0xFFFFFB00, s12;
	[sflag:s23] =	ssyncadd.s32 $0xFFFFD800  }
0x56: {  	[hbm4b:s15+s3] =	stream.linear.scatter [tilespmem:s18], [sflag:$0x9], $0x2800, $0x38;
	[tilespmem:$0x1DF00] =	vst v63  }
0x57: {  	_ =	swait.ge [sflag:s24], $0x2800  }
0x58: {  	[sflag:s24] =	ssyncset.done $0x0  }
0x59: {  	s0 =	simm.s32 @!p0 $0x1E0;
	s2 =	simm.s32 @!p0 $0x7700;
	[sflag:s24] =	ssyncadd.s32 $0xFFFFD800  }
0x5a: {  	[tilespmem:s2], [sflag:$0x2] =	stream.indirect.gather @!p0 [hbm4b:s1+s7], $0x80, s0, s7, $0xb8;
	[tilespmem:$0x1DF00] =	vst v63  }
0x5b: {  	s0 =	simm.s32 @!p0 $0x2960;
	s2 =	simm.s32 @!p0 $0x13F00  }
0x5c: {  	[tilespmem:s2], [sflag:$0x2] =	stream.indirect.gather @!p0 [hbm4b:s1+s7], $0x80, s0, s7, $0xb8;
	[tilespmem:$0x1DF00] =	vst v63  }
0x5d: {  	_ =	swait.ge [sflag:s25], $0x2800  }
0x5e: {  	[sflag:s25] =	ssyncset.done $0x0  }
0x5f: {  	p1 =	por $0x0, $0x0;
	[sflag:s25] =	ssyncadd.s32 $0xFFFFD800  }
0x60: {  	s31 =	sadd.s32 $0x1900, s12;
	s2 =	simm.s32 $0x640;
	_ =	swait.ge [sflag:s25], $0x2800  }
0x61: {  	s0 =	simm.s32 $0xC80;
	s7 =	smov.u32 s12;
	[sflag:s25] =	ssyncset.done $0x0  }
.LBB2_2:
0x62: {  	s9 =	simm.s32 @!p1 $0x8;
	[sflag:s25] =	ssyncadd.s32 $0xFFFFD800  }
0x63: {  	[hbm4b:s7+s3] =	stream.linear.scatter [tilespmem:s20], [sflag:$0xA], $0x2800, $0x38;
	[tilespmem:$0x1DF00] =	vst v63  }
0x64: {  	_ =	swait.ge @!p1 [sflag:s9], $0x2800  }
0x65: {  	s15 =	sshra.s32 s2, $0x2;
	[sflag:s9] =	ssyncset.done @!p1 $0x0  }
0x66: {  	s5 =	sadd.s32 $0xA0, s15;
	[sflag:s9] =	ssyncadd.s32 @!p1 $0xFFFFD800  }
0x67: {  	[tilespmem:s16], [sflag:$0x3] =	stream.indirect.gather [hbm4b:s1+s10], $0x80, s5, s10, $0xb8;
	[tilespmem:$0x1DF00] =	vst v63  }
0x68: {  	s4 =	rddreg [dreg:$0x4];
	s5 =	sadd.s32 $0x2820, s15  }
0x69: {  	[tilespmem:s4], [sflag:$0x3] =	stream.indirect.gather [hbm4b:s1+s10], $0x80, s5, s10, $0xb8;
	[tilespmem:$0x1DF00] =	vst v63  }
0x6a: {  	_ =	swait.ge [sflag:s17], $0x2800  }
0x6b: {  	[sflag:s17] =	ssyncset.done $0x0  }
0x6c: {  	[sflag:s17] =	ssyncadd.s32 $0xFFFFD800  }
0x6d: {  	_ =	swait.ge [sflag:s17], $0x2800  }
0x6e: {  	[sflag:s17] =	ssyncset.done $0x0  }
0x6f: {  	s9 =	simm.s32 @!p1 $0x9;
	s5 =	sadd.s32 $0xFFFFEC00, s31;
	[sflag:s17] =	ssyncadd.s32 $0xFFFFD800  }
0x70: {  	[hbm4b:s5+s3] =	stream.linear.scatter [tilespmem:s11], [sflag:$0x6], $0x2800, $0x38;
	[tilespmem:$0x1DF00] =	vst v63  }
0x71: {  	_ =	swait.ge @!p1 [sflag:s9], $0x2800  }
0x72: {  	[sflag:s9] =	ssyncset.done @!p1 $0x0  }
0x73: {  	s5 =	sadd.s32 $0xF0, s15;
	[sflag:s9] =	ssyncadd.s32 @!p1 $0xFFFFD800  }
0x74: {  	[tilespmem:s18], [sflag:$0x4] =	stream.indirect.gather [hbm4b:s1+s10], $0x80, s5, s10, $0xb8;
	[tilespmem:$0x1DF00] =	vst v63  }
0x75: {  	s9 =	rddreg [dreg:$0x5];
	s5 =	sadd.s32 $0x2870, s15  }
0x76: {  	[tilespmem:s9], [sflag:$0x4] =	stream.indirect.gather [hbm4b:s1+s10], $0x80, s5, s10, $0xb8;
	[tilespmem:$0x1DF00] =	vst v63  }
0x77: {  	_ =	swait.ge [sflag:s19], $0x2800  }
0x78: {  	[sflag:s19] =	ssyncset.done $0x0  }
0x79: {  	[sflag:s19] =	ssyncadd.s32 $0xFFFFD800  }
0x7a: {  	_ =	swait.ge [sflag:s19], $0x2800  }
0x7b: {  	[sflag:s19] =	ssyncset.done $0x0  }
0x7c: {  	s5 =	sadd.s32 $0xFFFFF100, s31;
	s9 =	simm.s32 @!p1 $0xA;
	[sflag:s19] =	ssyncadd.s32 $0xFFFFD800  }
0x7d: {  	[hbm4b:s5+s3] =	stream.linear.scatter [tilespmem:s13], [sflag:$0x7], $0x2800, $0x38;
	[tilespmem:$0x1DF00] =	vst v63  }
0x7e: {  	_ =	swait.ge @!p1 [sflag:s9], $0x2800  }
0x7f: {  	[sflag:s9] =	ssyncset.done @!p1 $0x0  }
0x80: {  	s5 =	sadd.s32 $0x140, s15;
	[sflag:s9] =	ssyncadd.s32 @!p1 $0xFFFFD800  }
0x81: {  	[tilespmem:s20], [sflag:$0x5] =	stream.indirect.gather [hbm4b:s1+s10], $0x80, s5, s10, $0xb8;
	[tilespmem:$0x1DF00] =	vst v63  }
0x82: {  	s9 =	rddreg [dreg:$0x6];
	s5 =	sadd.s32 $0x28C0, s15  }
0x83: {  	[tilespmem:s9], [sflag:$0x5] =	stream.indirect.gather [hbm4b:s1+s10], $0x80, s5, s10, $0xb8;
	[tilespmem:$0x1DF00] =	vst v63  }
0x84: {  	_ =	swait.ge [sflag:s21], $0x2800  }
0x85: {  	[sflag:s21] =	ssyncset.done $0x0  }
0x86: {  	[sflag:s21] =	ssyncadd.s32 $0xFFFFD800  }
0x87: {  	_ =	swait.ge [sflag:s21], $0x2800  }
0x88: {  	[sflag:s21] =	ssyncset.done $0x0  }
0x89: {  	s9 =	sadd.s32 $0xFFFFF600, s31;
	[sflag:s21] =	ssyncadd.s32 $0xFFFFD800  }
0x8a: {  	[hbm4b:s9+s3] =	stream.linear.scatter [tilespmem:s16], [sflag:$0x8], $0x2800, $0x38;
	[tilespmem:$0x1DF00] =	vst v63  }
0x8b: {  	p1 =	seq.s32 s2, $0x9600;
	_ =	swait.ge [sflag:s22], $0x2800  }
0x8c: {  	s2 =	sshra.s32 @!p1 s2, $0x2;
	s4 =	simm.s32 @!p1 $0x4F00;
	[sflag:s22] =	ssyncset.done $0x0  }
0x8d: {  	s15 =	simm.s32 @!p1 $0x50;
	s9 =	sadd.s32 @!p1 $0x190, s2;
	[sflag:s22] =	ssyncadd.s32 $0xFFFFD800  }
0x8e: {  	[tilespmem:s4], [sflag:$0x1] =	stream.indirect.gather @!p1 [hbm4b:s1+s15], $0x80, s9, s15, $0xb8;
	[tilespmem:$0x1DF00] =	vst v63  }
0x8f: {  	s4 =	sadd.s32 @!p1 $0x2910, s2;
	s9 =	simm.s32 @!p1 $0x11700  }
0x90: {  	[tilespmem:s9], [sflag:$0x1] =	stream.indirect.gather @!p1 [hbm4b:s1+s15], $0x80, s4, s15, $0xb8;
	[tilespmem:$0x1DF00] =	vst v63  }
0x91: {  	_ =	swait.ge [sflag:s23], $0x2800  }
0x92: {  	[sflag:s23] =	ssyncset.done $0x0  }
0x93: {  	[sflag:s23] =	ssyncadd.s32 $0xFFFFD800  }
0x94: {  	s14 =	smov.u32 s0;
	_ =	swait.ge [sflag:s23], $0x2800  }
0x95: {  	s5 =	sadd.s32 @!p1 $0x1E0, s2;
	s4 =	sadd.s32 @!p1 $0x2960, s2;
	[sflag:s23] =	ssyncset.done $0x0  }
0x96: {  	s2 =	smov.u32 s14;
	s14 =	sadd.s32 $0xFFFFFB00, s31;
	[sflag:s23] =	ssyncadd.s32 $0xFFFFD800  }
0x97: {  	[hbm4b:s14+s3] =	stream.linear.scatter [tilespmem:s18], [sflag:$0x9], $0x2800, $0x38;
	[tilespmem:$0x1DF00] =	vst v63  }
0x98: {  	_ =	swait.ge [sflag:s24], $0x2800  }
0x99: {  	[sflag:s24] =	ssyncset.done $0x0  }
0x9a: {  	s0 =	sadd.s32 $0x640, s0;
	s9 =	simm.s32 @!p1 $0x7700;
	[sflag:s24] =	ssyncadd.s32 $0xFFFFD800  }
0x9b: {  	[tilespmem:s9], [sflag:$0x2] =	stream.indirect.gather @!p1 [hbm4b:s1+s15], $0x80, s5, s15, $0xb8;
	[tilespmem:$0x1DF00] =	vst v63  }
0x9c: {  	p0 =	sne.s32 s0, $0x9C40;
	s5 =	simm.s32 @!p1 $0x13F00  }
0x9d: {  	[tilespmem:s5], [sflag:$0x2] =	stream.indirect.gather @!p1 [hbm4b:s1+s15], $0x80, s4, s15, $0xb8;
	[tilespmem:$0x1DF00] =	vst v63  }
.Ltmp0:
0x9e: {  	_ =	swait.ge [sflag:s25], $0x2800;
	(pc) =	sbr.rel @p0 .LBB2_2-.Ltmp0, $4  }
0x9f: {  	[sflag:s25] =	ssyncset.done $0x0  }
0xa0: {  	[sflag:s25] =	ssyncadd.s32 $0xFFFFD800  }
0xa1: {  	s7 =	smov.u32 s31;
	_ =	swait.ge [sflag:s25], $0x2800  }
0xa2: {  	s31 =	sadd.s32 $0x1900, s31;
	p1 =	seq.s32 s2, $0x0;
	[sflag:s25] =	ssyncset.done $0x0  }
0xa3: {  	s0 =	simm.s32 @!p1 $0x8;
	[sflag:s25] =	ssyncadd.s32 $0xFFFFD800  }
0xa4: {  	[hbm4b:s7+s3] =	stream.linear.scatter [tilespmem:s20], [sflag:$0xA], $0x2800, $0x38;
	[tilespmem:$0x1DF00] =	vst v63  }
0xa5: {  	_ =	swait.ge @!p1 [sflag:s0], $0x2800  }
0xa6: {  	s4 =	sshra.s32 s2, $0x2;
	[sflag:s0] =	ssyncset.done @!p1 $0x0  }
0xa7: {  	s9 =	sadd.s32 $0xA0, s4;
	[sflag:s0] =	ssyncadd.s32 @!p1 $0xFFFFD800  }
0xa8: {  	[tilespmem:s16], [sflag:$0x3] =	stream.indirect.gather [hbm4b:s1+s10], $0x80, s9, s10, $0xb8;
	[tilespmem:$0x1DF00] =	vst v63  }
0xa9: {  	s14 =	sadd.s32 $0x2820, s4;
	s5 =	rddreg [dreg:$0x4]  }
0xaa: {  	[tilespmem:s5], [sflag:$0x3] =	stream.indirect.gather [hbm4b:s1+s10], $0x80, s14, s10, $0xb8;
	[tilespmem:$0x1DF00] =	vst v63  }
0xab: {  	_ =	swait.ge [sflag:s17], $0x2800  }
0xac: {  	[sflag:s17] =	ssyncset.done $0x0  }
0xad: {  	[sflag:s17] =	ssyncadd.s32 $0xFFFFD800  }
0xae: {  	_ =	swait.ge [sflag:s17], $0x2800  }
0xaf: {  	[sflag:s17] =	ssyncset.done $0x0  }
0xb0: {  	s15 =	sadd.s32 $0xFFFFEC00, s31;
	s5 =	simm.s32 @!p1 $0x9;
	[sflag:s17] =	ssyncadd.s32 $0xFFFFD800  }
0xb1: {  	[hbm4b:s15+s3] =	stream.linear.scatter [tilespmem:s11], [sflag:$0x6], $0x2800, $0x38;
	[tilespmem:$0x1DF00] =	vst v63  }
0xb2: {  	_ =	swait.ge @!p1 [sflag:s5], $0x2800  }
0xb3: {  	[sflag:s5] =	ssyncset.done @!p1 $0x0  }
0xb4: {  	s7 =	sadd.s32 $0xF0, s4;
	[sflag:s5] =	ssyncadd.s32 @!p1 $0xFFFFD800  }
0xb5: {  	[tilespmem:s18], [sflag:$0x4] =	stream.indirect.gather [hbm4b:s1+s10], $0x80, s7, s10, $0xb8;
	[tilespmem:$0x1DF00] =	vst v63  }
0xb6: {  	s14 =	sadd.s32 $0x2870, s4;
	s9 =	rddreg [dreg:$0x5]  }
0xb7: {  	[tilespmem:s9], [sflag:$0x4] =	stream.indirect.gather [hbm4b:s1+s10], $0x80, s14, s10, $0xb8;
	[tilespmem:$0x1DF00] =	vst v63  }
0xb8: {  	_ =	swait.ge [sflag:s19], $0x2800  }
0xb9: {  	[sflag:s19] =	ssyncset.done $0x0  }
0xba: {  	[sflag:s19] =	ssyncadd.s32 $0xFFFFD800  }
0xbb: {  	_ =	swait.ge [sflag:s19], $0x2800  }
0xbc: {  	[sflag:s19] =	ssyncset.done $0x0  }
0xbd: {  	s15 =	sadd.s32 $0xFFFFF100, s31;
	s5 =	simm.s32 @!p1 $0xA;
	[sflag:s19] =	ssyncadd.s32 $0xFFFFD800  }
0xbe: {  	[hbm4b:s15+s3] =	stream.linear.scatter [tilespmem:s13], [sflag:$0x7], $0x2800, $0x38;
	[tilespmem:$0x1DF00] =	vst v63  }
0xbf: {  	_ =	swait.ge @!p1 [sflag:s5], $0x2800  }
0xc0: {  	[sflag:s5] =	ssyncset.done @!p1 $0x0  }
0xc1: {  	[sflag:s5] =	ssyncadd.s32 @!p1 $0xFFFFD800;
	s5 =	sadd.s32 $0x140, s4  }
0xc2: {  	[tilespmem:s20], [sflag:$0x5] =	stream.indirect.gather [hbm4b:s1+s10], $0x80, s5, s10, $0xb8;
	[tilespmem:$0x1DF00] =	vst v63  }
0xc3: {  	s9 =	sadd.s32 $0x28C0, s4;
	s7 =	rddreg [dreg:$0x6]  }
0xc4: {  	[tilespmem:s7], [sflag:$0x5] =	stream.indirect.gather [hbm4b:s1+s10], $0x80, s9, s10, $0xb8;
	[tilespmem:$0x1DF00] =	vst v63  }
0xc5: {  	_ =	swait.ge [sflag:s21], $0x2800  }
0xc6: {  	[sflag:s21] =	ssyncset.done $0x0  }
0xc7: {  	[sflag:s21] =	ssyncadd.s32 $0xFFFFD800  }
0xc8: {  	_ =	swait.ge [sflag:s21], $0x2800  }
0xc9: {  	[sflag:s21] =	ssyncset.done $0x0  }
0xca: {  	s14 =	sadd.s32 $0xFFFFF600, s31;
	[sflag:s21] =	ssyncadd.s32 $0xFFFFD800  }
0xcb: {  	[hbm4b:s14+s3] =	stream.linear.scatter [tilespmem:s16], [sflag:$0x8], $0x2800, $0x38;
	[tilespmem:$0x1DF00] =	vst v63  }
0xcc: {  	p0 =	seq.s32 s2, $0x9600;
	_ =	swait.ge [sflag:s22], $0x2800  }
0xcd: {  	s0 =	sshra.s32 @!p0 s2, $0x2;
	s2 =	simm.s32 @!p0 $0x4F00;
	[sflag:s22] =	ssyncset.done $0x0  }
0xce: {  	s4 =	sadd.s32 @!p0 $0x190, s0;
	s5 =	simm.s32 @!p0 $0x50;
	[sflag:s22] =	ssyncadd.s32 $0xFFFFD800  }
0xcf: {  	[tilespmem:s2], [sflag:$0x1] =	stream.indirect.gather @!p0 [hbm4b:s1+s5], $0x80, s4, s5, $0xb8;
	[tilespmem:$0x1DF00] =	vst v63  }
0xd0: {  	s2 =	sadd.s32 @!p0 $0x2910, s0;
	s4 =	simm.s32 @!p0 $0x11700  }
0xd1: {  	[tilespmem:s4], [sflag:$0x1] =	stream.indirect.gather @!p0 [hbm4b:s1+s5], $0x80, s2, s5, $0xb8;
	[tilespmem:$0x1DF00] =	vst v63  }
0xd2: {  	_ =	swait.ge [sflag:s23], $0x2800  }
0xd3: {  	[sflag:s23] =	ssyncset.done $0x0  }
0xd4: {  	[sflag:s23] =	ssyncadd.s32 $0xFFFFD800  }
0xd5: {  	_ =	swait.ge [sflag:s23], $0x2800  }
0xd6: {  	[sflag:s23] =	ssyncset.done $0x0  }
0xd7: {  	s15 =	sadd.s32 $0xFFFFFB00, s31;
	[sflag:s23] =	ssyncadd.s32 $0xFFFFD800  }
0xd8: {  	[hbm4b:s15+s3] =	stream.linear.scatter [tilespmem:s18], [sflag:$0x9], $0x2800, $0x38;
	[tilespmem:$0x1DF00] =	vst v63  }
0xd9: {  	_ =	swait.ge [sflag:s24], $0x2800  }
0xda: {  	[sflag:s24] =	ssyncset.done $0x0  }
0xdb: {  	s2 =	sadd.s32 @!p0 $0x1E0, s0;
	s4 =	simm.s32 @!p0 $0x7700;
	[sflag:s24] =	ssyncadd.s32 $0xFFFFD800  }
0xdc: {  	[tilespmem:s4], [sflag:$0x2] =	stream.indirect.gather @!p0 [hbm4b:s1+s5], $0x80, s2, s5, $0xb8;
	[tilespmem:$0x1DF00] =	vst v63  }
0xdd: {  	s0 =	sadd.s32 @!p0 $0x2960, s0;
	s2 =	simm.s32 @!p0 $0x13F00  }
0xde: {  	[tilespmem:s2], [sflag:$0x2] =	stream.indirect.gather @!p0 [hbm4b:s1+s5], $0x80, s0, s5, $0xb8;
	[tilespmem:$0x1DF00] =	vst v63  }
0xdf: {  	_ =	swait.ge [sflag:s25], $0x2800  }
0xe0: {  	[sflag:s25] =	ssyncset.done $0x0  }
0xe1: {  	[sflag:s25] =	ssyncadd.s32 $0xFFFFD800  }
0xe2: {  	_ =	swait.ge [sflag:s25], $0x2800  }
0xe3: {  	[sflag:s25] =	ssyncset.done $0x0  }
0xe4: {  	[sflag:s25] =	ssyncadd.s32 $0xFFFFD800  }
0xe5: {  	[hbm4b:s31+s3] =	stream.linear.scatter [tilespmem:s20], [sflag:$0xA], $0x2800, $0x38;
	[tilespmem:$0x1DF00] =	vst v63  }
0xe6: {  	_ =	swait.ge [sflag:s26], $0x2800  }
0xe7: {  	[sflag:s26] =	ssyncset.done $0x0  }
0xe8: {  	s30 =	sadd.s32 $0x1, s30;
	[sflag:s26] =	ssyncadd.s32 $0xFFFFD800  }
0xe9: {  	p0 =	sne.s32 s30, s6;
	_ =	swait.ge [sflag:s28], $0x2800  }
.Ltmp1:
0xea: {  	[sflag:s28] =	ssyncset.done $0x0;
	(pc) =	sbr.rel @p0 .LBB2_1-.Ltmp1, $4  }
0xeb: {  	[sflag:s28] =	ssyncadd.s32 $0xFFFFD800  }
0xec: {  	_ =	swait.ge [sflag:s29], $0x2800  }
0xed: {  	[sflag:s29] =	ssyncset.done $0x0  }
0xee: {  	[sflag:s29] =	ssyncadd.s32 $0xFFFFD800  }
0xef: {  	_ =	sfence.sel $0x180000  }
0xf0: {  	[bflag:$0x0] =	sbarrier.arrive $0xFFFF  }
0xf1: {  	_ =	strace $0x90000047  }
0xf2: {  	s0 =	stileid.u32;
	[bflag:$0x2] =	sbarrier.arrive $0xFFFF  }
0xf3: {  	p0 =	sne.s32 s0, $0x0;
	s0 =	rddreg [dreg:$0x3]  }
0xf4: {  	s0 =	sadd.s32 @!p0 $0x100000, s0  }
0xf5: {  	[sflag:s0] =	ssyncadd.tile.s32 @!p0 $0x1;
	_ =	shalt  }
.Lfunc_end2:
_tile_overlayer_lowered:
.L_overlay_start_2:
0xf6: {  	(tag) =	ssettag $0x2  }
0xf7: {  	s0 =	rddreg [dreg:$0x0];
	s2 =	stileid.u32  }
0xf8: {  	s1 =	rddreg [dreg:$0x1];
	p0 =	sne.s32 s2, $0x0  }
0xf9: {  	s3 =	rddreg [dreg:$0x2];
	[bflag:$0x3] =	sbarrier.arrive $0xFFFF;
	s2 =	simm.s32 @!p0 $0x1C0B  }
0xfa: {  	[timem:s3], [sflag:s2] =	dma.local @!p0 [hbm:s0], s1  }
0xfb: {  	s0 =	simm.s32 @!p0 $0xB  }
0xfc: {  	_ =	swait.ge @!p0 [sflag:s0], s1  }
0xfd: {  	s1 =	ssub.s32 @!p0 $0x0, s1;
	[sflag:s0] =	ssyncset.done @!p0 $0x0  }
0xfe: {  	[sflag:s0] =	ssyncadd.s32 @!p0 s1  }
0xff: {  	[bflag:$0x3] =	sbarrier.arrive $0xFFFF  }
0x100: {  	_ =	shalt  }

</sc_bundles>
